<compile_context>
chip_gen: v7x
topology: tpu7x:2x2x1
jax: 0.10.2.dev20260603
libtpu: 0.0.44.dev20260713+nightly
codegen_flags: <defaults>
</compile_context>

<pallas_src>
import functools

import jax
import jax.numpy as jnp
from jax import lax
from jax.experimental import pallas as pl
from jax.experimental.pallas import tpu as pltpu
from jax.experimental.pallas import tpu_sc as plsc

N_NODES = 10000
D_FEAT = 128
N_EDGES = 320000

NC = 2
NS = 16
NW = NC * NS

CHUNK = 128
CPW = 80
E_PAD = NW * CPW * CHUNK
EPW = E_PAD // NW

NB = 3
QROWS = 4096
NV = NB * QROWS
NA = 10240
RPS = NA // NS

_mesh = plsc.VectorSubcoreMesh(core_axis_name="c", subcore_axis_name="s")


@functools.partial(
    pl.kernel,
    out_type=jax.ShapeDtypeStruct((NC, NA), jnp.float32),
    mesh=_mesh,
    scratch_types=[
        pltpu.VMEM_SHARED((NA,), jnp.float32),
        pltpu.VMEM((CPW, CHUNK), jnp.int32),
        pltpu.VMEM((CPW, CHUNK), jnp.float32),
        pltpu.VMEM((RPS,), jnp.float32),
    ],
)
def _deg_kernel(dst_hbm, deg_out, deg_sh, didx_v, ones_v, zbuf_v):
    c = lax.axis_index("c")
    s = lax.axis_index("s")
    wid = s * NC + c

    zeros16 = jnp.zeros((16,), jnp.float32)
    ones16 = jnp.full((16,), 1.0, jnp.float32)

    def _z(i, _):
        zbuf_v[pl.ds(i * 16, 16)] = zeros16
        return 0

    lax.fori_loop(0, RPS // 16, _z, 0)

    def _o(i, _):
        for j in range(CHUNK // 16):
            ones_v[i, pl.ds(j * 16, 16)] = ones16
        return 0

    lax.fori_loop(0, CPW, _o, 0)
    pltpu.sync_copy(zbuf_v, deg_sh.at[pl.ds(s * RPS, RPS)])
    pltpu.sync_copy(dst_hbm.at[wid], didx_v)
    plsc.subcore_barrier()

    def _body(t, _):
        pltpu.sync_copy(ones_v.at[t], deg_sh.at[didx_v.at[t]], add=True)
        return 0

    lax.fori_loop(0, CPW, _body, 0)
    plsc.subcore_barrier()
    pltpu.sync_copy(deg_sh.at[pl.ds(s * RPS, RPS)],
                    deg_out.at[c, pl.ds(s * RPS, RPS)])


C3 = 64
C3U = 4
CPT3 = EPW // C3


@functools.partial(
    pl.kernel,
    out_type=jax.ShapeDtypeStruct((NC, NA, D_FEAT), jnp.float32),
    mesh=_mesh,
    scratch_types=[
        pltpu.VMEM_SHARED((NA, D_FEAT), jnp.float32),
        [pltpu.VMEM((C3,), jnp.int32)] * 4,
        [pltpu.VMEM((C3,), jnp.int32)] * 2,
        [pltpu.VMEM((C3, D_FEAT), jnp.float32)] * 2,
        pltpu.SemaphoreType.DMA,
        pltpu.SemaphoreType.DMA,
        pltpu.SemaphoreType.DMA,
    ],
)
def _agg_kernel(gx_hbm, src_hbm, dst_hbm, acc_out, acc_sh, sbufs, dbufs,
                rfs, sem_g, sem_s, sem_d):
    c = lax.axis_index("c")
    s = lax.axis_index("s")
    wid = s * NC + c

    zeros16 = jnp.zeros((16,), jnp.float32)

    def _z(i, _):
        for j in range(D_FEAT // 16):
            rfs[0][i, pl.ds(j * 16, 16)] = zeros16
        return 0

    lax.fori_loop(0, C3, _z, 0)
    for k in range(RPS // C3):
        pltpu.sync_copy(rfs[0], acc_sh.at[pl.ds(s * RPS + k * C3, C3)])
    plsc.subcore_barrier()

    n = CPT3
    pltpu.sync_copy(dst_hbm.at[wid, 0], dbufs[0])
    pltpu.async_copy(src_hbm.at[wid, 0], sbufs[0], sem_s)
    pltpu.async_copy(src_hbm.at[wid, 1], sbufs[1], sem_s)
    pltpu.make_async_copy(src_hbm.at[wid, 0], sbufs[0], sem_s).wait()
    pltpu.async_copy(gx_hbm.at[sbufs[0]], rfs[0], sem_g)

    def _body(k, _):
        for b in range(C3U):
            t = C3U * k + b
            sb1 = sbufs[(b + 1) % 4]
            sb2 = sbufs[(b + 2) % 4]
            db0 = dbufs[b % 2]
            db1 = dbufs[(b + 1) % 2]
            rf0 = rfs[b % 2]
            rf1 = rfs[(b + 1) % 2]

            @pl.when(t + 2 < n)
            def _():
                pltpu.async_copy(src_hbm.at[wid, t + 2], sb2, sem_s)

            @pl.when(t + 1 < n)
            def _():
                pltpu.make_async_copy(src_hbm.at[wid, t + 1], sb1,
                                      sem_s).wait()
                pltpu.async_copy(gx_hbm.at[sb1], rf1, sem_g)
                pltpu.async_copy(dst_hbm.at[wid, t + 1], db1, sem_d)

            pltpu.make_async_copy(gx_hbm.at[sbufs[b % 4]], rf0,
                                  sem_g).wait()

            @pl.when(t > 0)
            def _():
                pltpu.make_async_copy(dst_hbm.at[wid, t], db0, sem_d).wait()

            pltpu.sync_copy(rf0, acc_sh.at[db0], add=True)
        return 0

    lax.fori_loop(0, n // C3U, _body, 0)

    plsc.subcore_barrier()
    pltpu.sync_copy(acc_sh.at[pl.ds(s * RPS, RPS)],
                    acc_out.at[c, pl.ds(s * RPS, RPS)])


def _scale_body(deg_ref, x_ref, gx_ref):
    dtot = 1.0 + deg_ref[:, 0:1] + deg_ref[:, 1:2]
    dinv = lax.rsqrt(jnp.maximum(dtot, 1e-12))
    gx_ref[...] = dinv * x_ref[...]


def _scale_kernel(degT, x_pad):
    blk = 2048
    grid = (NV // blk,)
    return pl.pallas_call(
        _scale_body,
        grid=grid,
        in_specs=[
            pl.BlockSpec((blk, 2), lambda i: (i, 0)),
            pl.BlockSpec((blk, D_FEAT), lambda i: (i, 0)),
        ],
        out_specs=pl.BlockSpec((blk, D_FEAT), lambda i: (i, 0)),
        out_shape=jax.ShapeDtypeStruct((NV, D_FEAT), jnp.float32),
    )(degT, x_pad)


def _head_body(deg_ref, acc_ref, gx_ref, x_ref, wg_ref, bg_ref, w1_ref,
               b1_ref, w2_ref, b2_ref, w3_ref, b3_ref, y_ref):
    dtot = 1.0 + deg_ref[:, 0:1] + deg_ref[:, 1:2]
    dinv = lax.rsqrt(jnp.maximum(dtot, 1e-12))
    sagg = dinv * (acc_ref[0] + acc_ref[1] + gx_ref[...])
    z = jnp.dot(sagg, wg_ref[...], preferred_element_type=jnp.float32)
    z = jnp.maximum(z + bg_ref[...], 0.0) + x_ref[...]
    y1 = jnp.dot(z, w1_ref[...], preferred_element_type=jnp.float32)
    y1 = jnp.maximum(y1 + b1_ref[...], 0.0)
    y2 = jnp.dot(y1, w2_ref[...], preferred_element_type=jnp.float32)
    y2 = jnp.maximum(y2 + b2_ref[...], 0.0)
    y_ref[...] = jnp.dot(y2, w3_ref[...],
                         preferred_element_type=jnp.float32) + b3_ref[...]


def _head_kernel(degT, acc, gx, x_pad, W_gcn, b_gcn, W1, b1, W2, b2, W3, b3):
    blk = 2048
    grid = (NA // blk,)
    full = lambda shape: pl.BlockSpec(shape, lambda i: tuple(0 for _ in shape))
    return pl.pallas_call(
        _head_body,
        grid=grid,
        in_specs=[
            pl.BlockSpec((blk, 2), lambda i: (i, 0)),
            pl.BlockSpec((NC, blk, D_FEAT), lambda i: (0, i, 0)),
            pl.BlockSpec((blk, D_FEAT), lambda i: (i, 0)),
            pl.BlockSpec((blk, D_FEAT), lambda i: (i, 0)),
            full((D_FEAT, D_FEAT)),
            full((1, D_FEAT)),
            full((D_FEAT, 32)),
            full((1, 32)),
            full((32, 32)),
            full((1, 32)),
            full((32, 4)),
            full((1, 4)),
        ],
        out_specs=pl.BlockSpec((blk, 4), lambda i: (i, 0)),
        out_shape=jax.ShapeDtypeStruct((NA, 4), jnp.float32),
    )(degT, acc, gx, x_pad, W_gcn, b_gcn, W1, b1, W2, b2, W3, b3)


def kernel(x, edge_index, W_gcn, b_gcn, W1, b1, W2, b2, W3, b3):
    src = edge_index[0].astype(jnp.int32)
    dst = edge_index[1].astype(jnp.int32)
    pad = E_PAD - N_EDGES
    srcp = jnp.concatenate([src, jnp.full((pad,), N_NODES, jnp.int32)])
    dstp = jnp.concatenate([dst, jnp.full((pad,), N_NODES, jnp.int32)])
    x_pad = jnp.pad(x, ((0, NV - N_NODES), (0, 0)))

    degp = _deg_kernel(dstp.reshape(NW, CPW, CHUNK))
    degT = jnp.pad(degp.T, ((0, NV - NA), (0, 0)))
    gx = _scale_kernel(degT, x_pad)
    acc = _agg_kernel(gx, srcp.reshape(NW, EPW // C3, C3),
                      dstp.reshape(NW, EPW // C3, C3))
    yp = _head_kernel(degT[:NA], acc, gx[:NA], x_pad[:NA], W_gcn,
                      b_gcn.reshape(1, -1), W1, b1.reshape(1, -1),
                      W2, b2.reshape(1, -1), W3, b3.reshape(1, -1))
    return yp[:N_NODES]

# --- scband reference (transcript-rebuilt; emitter-appended) ---
"""Pipeline reference for scband-gnnactor-6571299963316 (READ-ONLY COPY).

The authoritative reference and input builder live on the scoring server;
editing this copy changes nothing except your own understanding.
"""

import jax, jax.numpy as jnp
import numpy as np

N_NODES = 10000
D_FEAT = 128
N_EDGES = 320000
OUT_DIM = 4  # D + T = 1 + 3


def setup_inputs(seed: int = 0) -> dict:
    key = jax.random.key(seed)
    ks = jax.random.split(key, 12)
    x = jax.random.normal(ks[0], (N_NODES, D_FEAT), dtype=jnp.float32)
    edge_index = jax.random.randint(ks[1], (2, N_EDGES), 0, N_NODES)
    s = 1.0 / np.sqrt(D_FEAT)
    W_gcn = jax.random.uniform(ks[2], (D_FEAT, D_FEAT), jnp.float32, -s, s)
    b_gcn = jnp.zeros((D_FEAT,), jnp.float32)
    s1 = 1.0 / np.sqrt(D_FEAT)
    W1 = jax.random.uniform(ks[3], (D_FEAT, 32), jnp.float32, -s1, s1)
    b1 = jax.random.uniform(ks[4], (32,), jnp.float32, -s1, s1)
    s2 = 1.0 / np.sqrt(32)
    W2 = jax.random.uniform(ks[5], (32, 32), jnp.float32, -s2, s2)
    b2 = jax.random.uniform(ks[6], (32,), jnp.float32, -s2, s2)
    W3 = jax.random.uniform(ks[7], (32, OUT_DIM), jnp.float32, -s2, s2)
    b3 = jax.random.uniform(ks[8], (OUT_DIM,), jnp.float32, -s2, s2)
    return {"x": x, "edge_index": edge_index, "W_gcn": W_gcn, "b_gcn": b_gcn,
            "W1": W1, "b1": b1, "W2": W2, "b2": b2, "W3": W3, "b3": b3}


def reference(x, edge_index, W_gcn, b_gcn, W1, b1, W2, b2, W3, b3):
    N = x.shape[0]
    src = edge_index[0]
    dst = edge_index[1]
    # GCNConv: add self-loops, symmetric normalization
    loop = jnp.arange(N, dtype=src.dtype)
    src = jnp.concatenate([src, loop])
    dst = jnp.concatenate([dst, loop])
    h = x @ W_gcn
    deg = jnp.zeros((N,), x.dtype).at[dst].add(1.0)
    dinv = jax.lax.rsqrt(jnp.maximum(deg, 1e-12))
    norm = dinv[src] * dinv[dst]
    msg = h[src] * norm[:, None]
    agg = jnp.zeros((N, h.shape[1]), x.dtype).at[dst].add(msg) + b_gcn
    out = jax.nn.relu(agg)
    y = out + x
    y = jax.nn.relu(y @ W1 + b1)
    y = jax.nn.relu(y @ W2 + b2)
    y = y @ W3 + b3
    return y

if __name__ == "__main__":
    import jax
    _d = setup_inputs()
    print(jax.jit(kernel)(*tuple(_d.values())))

</pallas_src>

<mosaic_0001>
#map = affine_map<(d0, d1) -> (0, 0, 0)>
#map1 = affine_map<(d0, d1) -> (0, 0)>
module attributes {stable_mosaic.version = 14 : i64} {
  func.func @_deg_kernel(%arg0: i32, %arg1: i32, %arg2: memref<32x80x128xi32, #tpu.memory_space<hbm>>, %arg3: memref<2x10240xf32, #tpu.memory_space<hbm>>, %arg4: memref<10240xf32, #tpu.memory_space<vmem_shared>>, %arg5: memref<80x128xi32, #tpu.memory_space<vmem>>, %arg6: memref<80x128xf32, #tpu.memory_space<vmem>>, %arg7: memref<640xf32, #tpu.memory_space<vmem>>) attributes {dimension_semantics = [#tpu.dimension_semantics<core_parallel>, #tpu.dimension_semantics<subcore_parallel>], iteration_bounds = array<i64: 2, 16>, scalar_prefetch = 0 : i64, scratch_operands = 4 : i64, tpu.core_type = #tpu.core_type<sc_vector_subcore>, window_params = [{transform_indices = #map}, {transform_indices = #map1}]} {
    %mul3A = arith.constant 2 : i32
    %mul3A_0 = arith.muli %arg1, %mul3A : i32
    %add3A = arith.addi %mul3A_0, %arg0 : i32
    %broadcast_in_dim3A = arith.constant 0.000000e+00 : f32
    %broadcast_in_dim3A_1 = vector.broadcast %broadcast_in_dim3A : f32 to vector<16xf32>
    %broadcast_in_dim3A_2 = arith.constant 1.000000e+00 : f32
    %broadcast_in_dim3A_3 = vector.broadcast %broadcast_in_dim3A_2 : f32 to vector<16xf32>
    %scan3A = arith.constant 0 : i32
    %scan3A_4 = arith.constant 0 : i32
    %scan3A_5 = arith.constant 40 : i32
    %scan3A_6 = arith.addi %scan3A_4, %scan3A_5 : i32
    %scan3A_7 = arith.constant 1 : i32
    %scan3A_8 = scf.for %scan3A_31 = %scan3A_4 to %scan3A_6 step %scan3A_7 iter_args(%scan3A_32 = %scan3A) -> (i32)  : i32 {
      %mul3A_33 = arith.constant 16 : i32
      %mul3A_34 = arith.muli %scan3A_31, %mul3A_33 : i32
      %swap3A = arith.index_cast %mul3A_34 : i32 to index
      %swap3A_35 = tpu.vector_load %arg7[%swap3A] {strides = array<i32>} : memref<640xf32, #tpu.memory_space<vmem>>, vector<16xf32>,
      %swap3A_36 = vector.shape_cast %swap3A_35 : vector<16xf32> to vector<16xf32>
      %swap3A_37 = vector.shape_cast %broadcast_in_dim3A_1 : vector<16xf32> to vector<16xf32>
      tpu.vector_store %arg7[%swap3A], %swap3A_37 {strides = array<i32>} : memref<640xf32, #tpu.memory_space<vmem>>, vector<16xf32>,
      %scan3A_38 = arith.constant 0 : i32
      scf.yield %scan3A_38 : i32
    }
    %scan3A_9 = arith.constant 40 : i32
    %scan3A_10 = arith.constant 0 : i32
    %scan3A_11 = arith.constant 0 : i32
    %scan3A_12 = arith.constant 80 : i32
    %scan3A_13 = arith.addi %scan3A_11, %scan3A_12 : i32
    %scan3A_14 = arith.constant 1 : i32
    %scan3A_15 = scf.for %scan3A_31 = %scan3A_11 to %scan3A_13 step %scan3A_14 iter_args(%scan3A_32 = %scan3A_10) -> (i32)  : i32 {
      %swap3A = arith.index_cast %scan3A_31 : i32 to index
      %swap3A_33 = arith.constant 0 : index
      %swap3A_34 = tpu.vector_load %arg6[%swap3A, %swap3A_33] {strides = array<i32>} : memref<80x128xf32, #tpu.memory_space<vmem>>, vector<1x16xf32>,
      %swap3A_35 = vector.shape_cast %swap3A_34 : vector<1x16xf32> to vector<16xf32>
      %swap3A_36 = vector.shape_cast %broadcast_in_dim3A_3 : vector<16xf32> to vector<1x16xf32>
      tpu.vector_store %arg6[%swap3A, %swap3A_33], %swap3A_36 {strides = array<i32>} : memref<80x128xf32, #tpu.memory_space<vmem>>, vector<1x16xf32>,
      %swap3A_37 = arith.index_cast %scan3A_31 : i32 to index
      %swap3A_38 = arith.constant 16 : index
      %swap3A_39 = tpu.vector_load %arg6[%swap3A_37, %swap3A_38] {strides = array<i32>} : memref<80x128xf32, #tpu.memory_space<vmem>>, vector<1x16xf32>,
      %swap3A_40 = vector.shape_cast %swap3A_39 : vector<1x16xf32> to vector<16xf32>
      %swap3A_41 = vector.shape_cast %broadcast_in_dim3A_3 : vector<16xf32> to vector<1x16xf32>
      tpu.vector_store %arg6[%swap3A_37, %swap3A_38], %swap3A_41 {strides = array<i32>} : memref<80x128xf32, #tpu.memory_space<vmem>>, vector<1x16xf32>,
      %swap3A_42 = arith.index_cast %scan3A_31 : i32 to index
      %swap3A_43 = arith.constant 32 : index
      %swap3A_44 = tpu.vector_load %arg6[%swap3A_42, %swap3A_43] {strides = array<i32>} : memref<80x128xf32, #tpu.memory_space<vmem>>, vector<1x16xf32>,
      %swap3A_45 = vector.shape_cast %swap3A_44 : vector<1x16xf32> to vector<16xf32>
      %swap3A_46 = vector.shape_cast %broadcast_in_dim3A_3 : vector<16xf32> to vector<1x16xf32>
      tpu.vector_store %arg6[%swap3A_42, %swap3A_43], %swap3A_46 {strides = array<i32>} : memref<80x128xf32, #tpu.memory_space<vmem>>, vector<1x16xf32>,
      %swap3A_47 = arith.index_cast %scan3A_31 : i32 to index
      %swap3A_48 = arith.constant 48 : index
      %swap3A_49 = tpu.vector_load %arg6[%swap3A_47, %swap3A_48] {strides = array<i32>} : memref<80x128xf32, #tpu.memory_space<vmem>>, vector<1x16xf32>,
      %swap3A_50 = vector.shape_cast %swap3A_49 : vector<1x16xf32> to vector<16xf32>
      %swap3A_51 = vector.shape_cast %broadcast_in_dim3A_3 : vector<16xf32> to vector<1x16xf32>
      tpu.vector_store %arg6[%swap3A_47, %swap3A_48], %swap3A_51 {strides = array<i32>} : memref<80x128xf32, #tpu.memory_space<vmem>>, vector<1x16xf32>,
      %swap3A_52 = arith.index_cast %scan3A_31 : i32 to index
      %swap3A_53 = arith.constant 64 : index
      %swap3A_54 = tpu.vector_load %arg6[%swap3A_52, %swap3A_53] {strides = array<i32>} : memref<80x128xf32, #tpu.memory_space<vmem>>, vector<1x16xf32>,
      %swap3A_55 = vector.shape_cast %swap3A_54 : vector<1x16xf32> to vector<16xf32>
      %swap3A_56 = vector.shape_cast %broadcast_in_dim3A_3 : vector<16xf32> to vector<1x16xf32>
      tpu.vector_store %arg6[%swap3A_52, %swap3A_53], %swap3A_56 {strides = array<i32>} : memref<80x128xf32, #tpu.memory_space<vmem>>, vector<1x16xf32>,
      %swap3A_57 = arith.index_cast %scan3A_31 : i32 to index
      %swap3A_58 = arith.constant 80 : index
      %swap3A_59 = tpu.vector_load %arg6[%swap3A_57, %swap3A_58] {strides = array<i32>} : memref<80x128xf32, #tpu.memory_space<vmem>>, vector<1x16xf32>,
      %swap3A_60 = vector.shape_cast %swap3A_59 : vector<1x16xf32> to vector<16xf32>
      %swap3A_61 = vector.shape_cast %broadcast_in_dim3A_3 : vector<16xf32> to vector<1x16xf32>
      tpu.vector_store %arg6[%swap3A_57, %swap3A_58], %swap3A_61 {strides = array<i32>} : memref<80x128xf32, #tpu.memory_space<vmem>>, vector<1x16xf32>,
      %swap3A_62 = arith.index_cast %scan3A_31 : i32 to index
      %swap3A_63 = arith.constant 96 : index
      %swap3A_64 = tpu.vector_load %arg6[%swap3A_62, %swap3A_63] {strides = array<i32>} : memref<80x128xf32, #tpu.memory_space<vmem>>, vector<1x16xf32>,
      %swap3A_65 = vector.shape_cast %swap3A_64 : vector<1x16xf32> to vector<16xf32>
      %swap3A_66 = vector.shape_cast %broadcast_in_dim3A_3 : vector<16xf32> to vector<1x16xf32>
      tpu.vector_store %arg6[%swap3A_62, %swap3A_63], %swap3A_66 {strides = array<i32>} : memref<80x128xf32, #tpu.memory_space<vmem>>, vector<1x16xf32>,
      %swap3A_67 = arith.index_cast %scan3A_31 : i32 to index
      %swap3A_68 = arith.constant 112 : index
      %swap3A_69 = tpu.vector_load %arg6[%swap3A_67, %swap3A_68] {strides = array<i32>} : memref<80x128xf32, #tpu.memory_space<vmem>>, vector<1x16xf32>,
      %swap3A_70 = vector.shape_cast %swap3A_69 : vector<1x16xf32> to vector<16xf32>
      %swap3A_71 = vector.shape_cast %broadcast_in_dim3A_3 : vector<16xf32> to vector<1x16xf32>
      tpu.vector_store %arg6[%swap3A_67, %swap3A_68], %swap3A_71 {strides = array<i32>} : memref<80x128xf32, #tpu.memory_space<vmem>>, vector<1x16xf32>,
      %scan3A_72 = arith.constant 0 : i32
      scf.yield %scan3A_72 : i32
    }
    %scan3A_16 = arith.constant 80 : i32
    %mul3A_17 = arith.constant 640 : i32
    %mul3A_18 = arith.muli %arg1, %mul3A_17 : i32
    "tpu.region"() ({
      %run_scoped3A = tpu.sem_alloc : memref<!tpu.dma_semaphore, #tpu.memory_space<semaphore_mem>>
      %dma_start3A = tpu.memref_slice %arg4[%mul3A_18] : memref<10240xf32, #tpu.memory_space<vmem_shared>> -> memref<640xf32, #tpu.memory_space<vmem_shared>>
      %dma_start3A_31 = tpu.memref_slice %arg4[%mul3A_18] : memref<10240xf32, #tpu.memory_space<vmem_shared>> -> memref<640xf32, #tpu.memory_space<vmem_shared>>
      tpu.enqueue_dma source(%arg7 : memref<640xf32, #tpu.memory_space<vmem>>) target(%dma_start3A_31 : memref<640xf32, #tpu.memory_space<vmem_shared>>) target_semaphore(%run_scoped3A : memref<!tpu.dma_semaphore, #tpu.memory_space<semaphore_mem>>)
      %dma_wait3A = tpu.memref_slice %arg4[%mul3A_18] : memref<10240xf32, #tpu.memory_space<vmem_shared>> -> memref<640xf32, #tpu.memory_space<vmem_shared>>
      %dma_wait3A_32 = tpu.memref_slice %arg4[%mul3A_18] : memref<10240xf32, #tpu.memory_space<vmem_shared>> -> memref<640xf32, #tpu.memory_space<vmem_shared>>
      tpu.wait_dma2 semaphore(%run_scoped3A : memref<!tpu.dma_semaphore, #tpu.memory_space<semaphore_mem>>) src(%arg7 : memref<640xf32, #tpu.memory_space<vmem>>) dst(%dma_wait3A_32 : memref<640xf32, #tpu.memory_space<vmem_shared>>)
      tpu.yield
    }) : () -> ()
    "tpu.region"() ({
      %run_scoped3A = tpu.sem_alloc : memref<!tpu.dma_semaphore, #tpu.memory_space<semaphore_mem>>
      %dma_start3A = arith.constant 0 : i32
      %dma_start3A_31 = arith.constant 0 : i32
      %dma_start3A_32 = tpu.memref_slice %arg2[%add3A, %dma_start3A, %dma_start3A_31] : memref<32x80x128xi32, #tpu.memory_space<hbm>> -> memref<1x80x128xi32, #tpu.memory_space<hbm>>
      %dma_start3A_33 = tpu.memref_squeeze %dma_start3A_32 : memref<1x80x128xi32, #tpu.memory_space<hbm>> -> memref<80x128xi32, #tpu.memory_space<hbm>>
      %dma_start3A_34 = arith.constant 0 : i32
      %dma_start3A_35 = arith.constant 0 : i32
      %dma_start3A_36 = tpu.memref_slice %arg2[%add3A, %dma_start3A_34, %dma_start3A_35] : memref<32x80x128xi32, #tpu.memory_space<hbm>> -> memref<1x80x128xi32, #tpu.memory_space<hbm>>
      %dma_start3A_37 = tpu.memref_squeeze %dma_start3A_36 : memref<1x80x128xi32, #tpu.memory_space<hbm>> -> memref<80x128xi32, #tpu.memory_space<hbm>>
      tpu.enqueue_dma source(%dma_start3A_37 : memref<80x128xi32, #tpu.memory_space<hbm>>) target(%arg5 : memref<80x128xi32, #tpu.memory_space<vmem>>) target_semaphore(%run_scoped3A : memref<!tpu.dma_semaphore, #tpu.memory_space<semaphore_mem>>)
      %dma_wait3A = arith.constant 0 : i32
      %dma_wait3A_38 = arith.constant 0 : i32
      %dma_wait3A_39 = tpu.memref_slice %arg2[%add3A, %dma_wait3A, %dma_wait3A_38] : memref<32x80x128xi32, #tpu.memory_space<hbm>> -> memref<1x80x128xi32, #tpu.memory_space<hbm>>
      %dma_wait3A_40 = tpu.memref_squeeze %dma_wait3A_39 : memref<1x80x128xi32, #tpu.memory_space<hbm>> -> memref<80x128xi32, #tpu.memory_space<hbm>>
      %dma_wait3A_41 = arith.constant 0 : i32
      %dma_wait3A_42 = arith.constant 0 : i32
      %dma_wait3A_43 = tpu.memref_slice %arg2[%add3A, %dma_wait3A_41, %dma_wait3A_42] : memref<32x80x128xi32, #tpu.memory_space<hbm>> -> memref<1x80x128xi32, #tpu.memory_space<hbm>>
      %dma_wait3A_44 = tpu.memref_squeeze %dma_wait3A_43 : memref<1x80x128xi32, #tpu.memory_space<hbm>> -> memref<80x128xi32, #tpu.memory_space<hbm>>
      tpu.wait_dma2 semaphore(%run_scoped3A : memref<!tpu.dma_semaphore, #tpu.memory_space<semaphore_mem>>) src(%dma_wait3A_44 : memref<80x128xi32, #tpu.memory_space<hbm>>) dst(%arg5 : memref<80x128xi32, #tpu.memory_space<vmem>>)
      tpu.yield
    }) : () -> ()
    %barrier3A = arith.constant 0 : index
    tpu.barrier barrier_id(%barrier3A)
    %scan3A_19 = arith.constant 0 : i32
    %scan3A_20 = arith.constant 0 : i32
    %scan3A_21 = arith.constant 80 : i32
    %scan3A_22 = arith.addi %scan3A_20, %scan3A_21 : i32
    %scan3A_23 = arith.constant 1 : i32
    %scan3A_24 = scf.for %scan3A_31 = %scan3A_20 to %scan3A_22 step %scan3A_23 iter_args(%scan3A_32 = %scan3A_19) -> (i32)  : i32 {
      "tpu.region"() ({
        %run_scoped3A = tpu.sem_alloc : memref<!tpu.dma_semaphore, #tpu.memory_space<semaphore_mem>>
        %dma_start3A = arith.constant 0 : i32
        %dma_start3A_34 = tpu.memref_slice %arg6[%scan3A_31, %dma_start3A] : memref<80x128xf32, #tpu.memory_space<vmem>> -> memref<1x128xf32, #tpu.memory_space<vmem>>
        %dma_start3A_35 = tpu.memref_squeeze %dma_start3A_34 : memref<1x128xf32, #tpu.memory_space<vmem>> -> memref<128xf32, #tpu.memory_space<vmem>>
        %dma_start3A_36 = arith.constant 0 : i32
        %dma_start3A_37 = tpu.memref_slice %arg5[%scan3A_31, %dma_start3A_36] : memref<80x128xi32, #tpu.memory_space<vmem>> -> memref<1x128xi32, #tpu.memory_space<vmem>>
        %dma_start3A_38 = tpu.memref_squeeze %dma_start3A_37 : memref<1x128xi32, #tpu.memory_space<vmem>> -> memref<128xi32, #tpu.memory_space<vmem>>
        %dma_start3A_39 = arith.constant 0 : i32
        %dma_start3A_40 = tpu.memref_slice %arg4[%dma_start3A_39] : memref<10240xf32, #tpu.memory_space<vmem_shared>> -> memref<10240xf32, #tpu.memory_space<vmem_shared>>
        tpu.enqueue_indirect_dma source(%dma_start3A_35 : memref<128xf32, #tpu.memory_space<vmem>>) target(%dma_start3A_40 : memref<10240xf32, #tpu.memory_space<vmem_shared>>) offsets(%dma_start3A_38 : memref<128xi32, #tpu.memory_space<vmem>>) semaphore(%run_scoped3A : memref<!tpu.dma_semaphore, #tpu.memory_space<semaphore_mem>>) {add = true}
        %dma_wait3A = arith.constant 0 : i32
        %dma_wait3A_41 = tpu.memref_slice %arg6[%scan3A_31, %dma_wait3A] : memref<80x128xf32, #tpu.memory_space<vmem>> -> memref<1x128xf32, #tpu.memory_space<vmem>>
        %dma_wait3A_42 = tpu.memref_squeeze %dma_wait3A_41 : memref<1x128xf32, #tpu.memory_space<vmem>> -> memref<128xf32, #tpu.memory_space<vmem>>
        %dma_wait3A_43 = arith.constant 0 : i32
        %dma_wait3A_44 = tpu.memref_slice %arg5[%scan3A_31, %dma_wait3A_43] : memref<80x128xi32, #tpu.memory_space<vmem>> -> memref<1x128xi32, #tpu.memory_space<vmem>>
        %dma_wait3A_45 = tpu.memref_squeeze %dma_wait3A_44 : memref<1x128xi32, #tpu.memory_space<vmem>> -> memref<128xi32, #tpu.memory_space<vmem>>
        %dma_wait3A_46 = arith.constant 0 : i32
        %dma_wait3A_47 = tpu.memref_slice %arg4[%dma_wait3A_46] : memref<10240xf32, #tpu.memory_space<vmem_shared>> -> memref<10240xf32, #tpu.memory_space<vmem_shared>>
        tpu.wait_indirect_dma semaphore(%run_scoped3A : memref<!tpu.dma_semaphore, #tpu.memory_space<semaphore_mem>>) src(%dma_wait3A_42 : memref<128xf32, #tpu.memory_space<vmem>>) dst(%dma_wait3A_47 : memref<10240xf32, #tpu.memory_space<vmem_shared>>)
        tpu.yield
      }) : () -> ()
      %scan3A_33 = arith.constant 0 : i32
      scf.yield %scan3A_33 : i32
    }
    %scan3A_25 = arith.constant 80 : i32
    %barrier3A_26 = arith.constant 0 : index
    tpu.barrier barrier_id(%barrier3A_26)
    %mul3A_27 = arith.constant 640 : i32
    %mul3A_28 = arith.muli %arg1, %mul3A_27 : i32
    %mul3A_29 = arith.constant 640 : i32
    %mul3A_30 = arith.muli %arg1, %mul3A_29 : i32
    "tpu.region"() ({
      %run_scoped3A = tpu.sem_alloc : memref<!tpu.dma_semaphore, #tpu.memory_space<semaphore_mem>>
      %dma_start3A = tpu.memref_slice %arg3[%arg0, %mul3A_30] : memref<2x10240xf32, #tpu.memory_space<hbm>> -> memref<1x640xf32, #tpu.memory_space<hbm>>
      %dma_start3A_31 = tpu.memref_squeeze %dma_start3A : memref<1x640xf32, #tpu.memory_space<hbm>> -> memref<640xf32, #tpu.memory_space<hbm>>
      %dma_start3A_32 = tpu.memref_slice %arg4[%mul3A_28] : memref<10240xf32, #tpu.memory_space<vmem_shared>> -> memref<640xf32, #tpu.memory_space<vmem_shared>>
      tpu.enqueue_dma source(%dma_start3A_32 : memref<640xf32, #tpu.memory_space<vmem_shared>>) target(%dma_start3A_31 : memref<640xf32, #tpu.memory_space<hbm>>) target_semaphore(%run_scoped3A : memref<!tpu.dma_semaphore, #tpu.memory_space<semaphore_mem>>)
      %dma_wait3A = tpu.memref_slice %arg3[%arg0, %mul3A_30] : memref<2x10240xf32, #tpu.memory_space<hbm>> -> memref<1x640xf32, #tpu.memory_space<hbm>>
      %dma_wait3A_33 = tpu.memref_squeeze %dma_wait3A : memref<1x640xf32, #tpu.memory_space<hbm>> -> memref<640xf32, #tpu.memory_space<hbm>>
      %dma_wait3A_34 = tpu.memref_slice %arg4[%mul3A_28] : memref<10240xf32, #tpu.memory_space<vmem_shared>> -> memref<640xf32, #tpu.memory_space<vmem_shared>>
      tpu.wait_dma2 semaphore(%run_scoped3A : memref<!tpu.dma_semaphore, #tpu.memory_space<semaphore_mem>>) src(%dma_wait3A_34 : memref<640xf32, #tpu.memory_space<vmem_shared>>) dst(%dma_wait3A_33 : memref<640xf32, #tpu.memory_space<hbm>>)
      tpu.yield
    }) : () -> ()
    return
  }
}

#map = affine_map<(d0, d1) -> (0, 0)>
#map1 = affine_map<(d0, d1) -> (0, 0, 0)>
module attributes {stable_mosaic.version = 14 : i64} {
  func.func @_agg_kernel(%arg0: i32, %arg1: i32, %arg2: memref<12288x128xf32, #tpu.memory_space<hbm>>, %arg3: memref<32x160x64xi32, #tpu.memory_space<hbm>>, %arg4: memref<32x160x64xi32, #tpu.memory_space<hbm>>, %arg5: memref<2x10240x128xf32, #tpu.memory_space<hbm>>, %arg6: memref<10240x128xf32, #tpu.memory_space<vmem_shared>>, %arg7: memref<64xi32, #tpu.memory_space<vmem>>, %arg8: memref<64xi32, #tpu.memory_space<vmem>>, %arg9: memref<64xi32, #tpu.memory_space<vmem>>, %arg10: memref<64xi32, #tpu.memory_space<vmem>>, %arg11: memref<64xi32, #tpu.memory_space<vmem>>, %arg12: memref<64xi32, #tpu.memory_space<vmem>>, %arg13: memref<64x128xf32, #tpu.memory_space<vmem>>, %arg14: memref<64x128xf32, #tpu.memory_space<vmem>>, %arg15: memref<!tpu.dma_semaphore, #tpu.memory_space<semaphore_mem>>, %arg16: memref<!tpu.dma_semaphore, #tpu.memory_space<semaphore_mem>>, %arg17: memref<!tpu.dma_semaphore, #tpu.memory_space<semaphore_mem>>) attributes {dimension_semantics = [#tpu.dimension_semantics<core_parallel>, #tpu.dimension_semantics<subcore_parallel>], iteration_bounds = array<i64: 2, 16>, scalar_prefetch = 0 : i64, scratch_operands = 12 : i64, tpu.core_type = #tpu.core_type<sc_vector_subcore>, window_params = [{transform_indices = #map}, {transform_indices = #map1}, {transform_indices = #map1}, {transform_indices = #map1}]} {
    %mul3A = arith.constant 2 : i32
    %mul3A_0 = arith.muli %arg1, %mul3A : i32
    %add3A = arith.addi %mul3A_0, %arg0 : i32
    %broadcast_in_dim3A = arith.constant 0.000000e+00 : f32
    %broadcast_in_dim3A_1 = vector.broadcast %broadcast_in_dim3A : f32 to vector<16xf32>
    %scan3A = arith.constant 0 : i32
    %scan3A_2 = arith.constant 0 : i32
    %scan3A_3 = arith.constant 64 : i32
    %scan3A_4 = arith.addi %scan3A_2, %scan3A_3 : i32
    %scan3A_5 = arith.constant 1 : i32
    %scan3A_6 = scf.for %scan3A_82 = %scan3A_2 to %scan3A_4 step %scan3A_5 iter_args(%scan3A_83 = %scan3A) -> (i32)  : i32 {
      %swap3A = arith.index_cast %scan3A_82 : i32 to index
      %swap3A_84 = arith.constant 0 : index
      %swap3A_85 = tpu.vector_load %arg13[%swap3A, %swap3A_84] {strides = array<i32>} : memref<64x128xf32, #tpu.memory_space<vmem>>, vector<1x16xf32>,
      %swap3A_86 = vector.shape_cast %swap3A_85 : vector<1x16xf32> to vector<16xf32>
      %swap3A_87 = vector.shape_cast %broadcast_in_dim3A_1 : vector<16xf32> to vector<1x16xf32>
      tpu.vector_store %arg13[%swap3A, %swap3A_84], %swap3A_87 {strides = array<i32>} : memref<64x128xf32, #tpu.memory_space<vmem>>, vector<1x16xf32>,
      %swap3A_88 = arith.index_cast %scan3A_82 : i32 to index
      %swap3A_89 = arith.constant 16 : index
      %swap3A_90 = tpu.vector_load %arg13[%swap3A_88, %swap3A_89] {strides = array<i32>} : memref<64x128xf32, #tpu.memory_space<vmem>>, vector<1x16xf32>,
      %swap3A_91 = vector.shape_cast %swap3A_90 : vector<1x16xf32> to vector<16xf32>
      %swap3A_92 = vector.shape_cast %broadcast_in_dim3A_1 : vector<16xf32> to vector<1x16xf32>
      tpu.vector_store %arg13[%swap3A_88, %swap3A_89], %swap3A_92 {strides = array<i32>} : memref<64x128xf32, #tpu.memory_space<vmem>>, vector<1x16xf32>,
      %swap3A_93 = arith.index_cast %scan3A_82 : i32 to index
      %swap3A_94 = arith.constant 32 : index
      %swap3A_95 = tpu.vector_load %arg13[%swap3A_93, %swap3A_94] {strides = array<i32>} : memref<64x128xf32, #tpu.memory_space<vmem>>, vector<1x16xf32>,
      %swap3A_96 = vector.shape_cast %swap3A_95 : vector<1x16xf32> to vector<16xf32>
      %swap3A_97 = vector.shape_cast %broadcast_in_dim3A_1 : vector<16xf32> to vector<1x16xf32>
      tpu.vector_store %arg13[%swap3A_93, %swap3A_94], %swap3A_97 {strides = array<i32>} : memref<64x128xf32, #tpu.memory_space<vmem>>, vector<1x16xf32>,
      %swap3A_98 = arith.index_cast %scan3A_82 : i32 to index
      %swap3A_99 = arith.constant 48 : index
      %swap3A_100 = tpu.vector_load %arg13[%swap3A_98, %swap3A_99] {strides = array<i32>} : memref<64x128xf32, #tpu.memory_space<vmem>>, vector<1x16xf32>,
      %swap3A_101 = vector.shape_cast %swap3A_100 : vector<1x16xf32> to vector<16xf32>
      %swap3A_102 = vector.shape_cast %broadcast_in_dim3A_1 : vector<16xf32> to vector<1x16xf32>
      tpu.vector_store %arg13[%swap3A_98, %swap3A_99], %swap3A_102 {strides = array<i32>} : memref<64x128xf32, #tpu.memory_space<vmem>>, vector<1x16xf32>,
      %swap3A_103 = arith.index_cast %scan3A_82 : i32 to index
      %swap3A_104 = arith.constant 64 : index
      %swap3A_105 = tpu.vector_load %arg13[%swap3A_103, %swap3A_104] {strides = array<i32>} : memref<64x128xf32, #tpu.memory_space<vmem>>, vector<1x16xf32>,
      %swap3A_106 = vector.shape_cast %swap3A_105 : vector<1x16xf32> to vector<16xf32>
      %swap3A_107 = vector.shape_cast %broadcast_in_dim3A_1 : vector<16xf32> to vector<1x16xf32>
      tpu.vector_store %arg13[%swap3A_103, %swap3A_104], %swap3A_107 {strides = array<i32>} : memref<64x128xf32, #tpu.memory_space<vmem>>, vector<1x16xf32>,
      %swap3A_108 = arith.index_cast %scan3A_82 : i32 to index
      %swap3A_109 = arith.constant 80 : index
      %swap3A_110 = tpu.vector_load %arg13[%swap3A_108, %swap3A_109] {strides = array<i32>} : memref<64x128xf32, #tpu.memory_space<vmem>>, vector<1x16xf32>,
      %swap3A_111 = vector.shape_cast %swap3A_110 : vector<1x16xf32> to vector<16xf32>
      %swap3A_112 = vector.shape_cast %broadcast_in_dim3A_1 : vector<16xf32> to vector<1x16xf32>
      tpu.vector_store %arg13[%swap3A_108, %swap3A_109], %swap3A_112 {strides = array<i32>} : memref<64x128xf32, #tpu.memory_space<vmem>>, vector<1x16xf32>,
      %swap3A_113 = arith.index_cast %scan3A_82 : i32 to index
      %swap3A_114 = arith.constant 96 : index
      %swap3A_115 = tpu.vector_load %arg13[%swap3A_113, %swap3A_114] {strides = array<i32>} : memref<64x128xf32, #tpu.memory_space<vmem>>, vector<1x16xf32>,
      %swap3A_116 = vector.shape_cast %swap3A_115 : vector<1x16xf32> to vector<16xf32>
      %swap3A_117 = vector.shape_cast %broadcast_in_dim3A_1 : vector<16xf32> to vector<1x16xf32>
      tpu.vector_store %arg13[%swap3A_113, %swap3A_114], %swap3A_117 {strides = array<i32>} : memref<64x128xf32, #tpu.memory_space<vmem>>, vector<1x16xf32>,
      %swap3A_118 = arith.index_cast %scan3A_82 : i32 to index
      %swap3A_119 = arith.constant 112 : index
      %swap3A_120 = tpu.vector_load %arg13[%swap3A_118, %swap3A_119] {strides = array<i32>} : memref<64x128xf32, #tpu.memory_space<vmem>>, vector<1x16xf32>,
      %swap3A_121 = vector.shape_cast %swap3A_120 : vector<1x16xf32> to vector<16xf32>
      %swap3A_122 = vector.shape_cast %broadcast_in_dim3A_1 : vector<16xf32> to vector<1x16xf32>
      tpu.vector_store %arg13[%swap3A_118, %swap3A_119], %swap3A_122 {strides = array<i32>} : memref<64x128xf32, #tpu.memory_space<vmem>>, vector<1x16xf32>,
      %scan3A_123 = arith.constant 0 : i32
      scf.yield %scan3A_123 : i32
    }
    %scan3A_7 = arith.constant 64 : i32
    %mul3A_8 = arith.constant 640 : i32
    %mul3A_9 = arith.muli %arg1, %mul3A_8 : i32
    %add3A_10 = arith.constant 0 : i32
    %add3A_11 = arith.addi %mul3A_9, %add3A_10 : i32
    "tpu.region"() ({
      %run_scoped3A_82 = tpu.sem_alloc : memref<!tpu.dma_semaphore, #tpu.memory_space<semaphore_mem>>
      %dma_start3A_83 = arith.constant 0 : i32
      %dma_start3A_84 = tpu.memref_slice %arg6[%add3A_11, %dma_start3A_83] : memref<10240x128xf32, #tpu.memory_space<vmem_shared>> -> memref<64x128xf32, #tpu.memory_space<vmem_shared>>
      %dma_start3A_85 = arith.constant 0 : i32
      %dma_start3A_86 = tpu.memref_slice %arg6[%add3A_11, %dma_start3A_85] : memref<10240x128xf32, #tpu.memory_space<vmem_shared>> -> memref<64x128xf32, #tpu.memory_space<vmem_shared>>
      tpu.enqueue_dma source(%arg13 : memref<64x128xf32, #tpu.memory_space<vmem>>) target(%dma_start3A_86 : memref<64x128xf32, #tpu.memory_space<vmem_shared>>) target_semaphore(%run_scoped3A_82 : memref<!tpu.dma_semaphore, #tpu.memory_space<semaphore_mem>>)
      %dma_wait3A_87 = arith.constant 0 : i32
      %dma_wait3A_88 = tpu.memref_slice %arg6[%add3A_11, %dma_wait3A_87] : memref<10240x128xf32, #tpu.memory_space<vmem_shared>> -> memref<64x128xf32, #tpu.memory_space<vmem_shared>>
      %dma_wait3A_89 = arith.constant 0 : i32
      %dma_wait3A_90 = tpu.memref_slice %arg6[%add3A_11, %dma_wait3A_89] : memref<10240x128xf32, #tpu.memory_space<vmem_shared>> -> memref<64x128xf32, #tpu.memory_space<vmem_shared>>
      tpu.wait_dma2 semaphore(%run_scoped3A_82 : memref<!tpu.dma_semaphore, #tpu.memory_space<semaphore_mem>>) src(%arg13 : memref<64x128xf32, #tpu.memory_space<vmem>>) dst(%dma_wait3A_90 : memref<64x128xf32, #tpu.memory_space<vmem_shared>>)
      tpu.yield
    }) : () -> ()
    %mul3A_12 = arith.constant 640 : i32
    %mul3A_13 = arith.muli %arg1, %mul3A_12 : i32
    %add3A_14 = arith.constant 64 : i32
    %add3A_15 = arith.addi %mul3A_13, %add3A_14 : i32
    "tpu.region"() ({
      %run_scoped3A_82 = tpu.sem_alloc : memref<!tpu.dma_semaphore, #tpu.memory_space<semaphore_mem>>
      %dma_start3A_83 = arith.constant 0 : i32
      %dma_start3A_84 = tpu.memref_slice %arg6[%add3A_15, %dma_start3A_83] : memref<10240x128xf32, #tpu.memory_space<vmem_shared>> -> memref<64x128xf32, #tpu.memory_space<vmem_shared>>
      %dma_start3A_85 = arith.constant 0 : i32
      %dma_start3A_86 = tpu.memref_slice %arg6[%add3A_15, %dma_start3A_85] : memref<10240x128xf32, #tpu.memory_space<vmem_shared>> -> memref<64x128xf32, #tpu.memory_space<vmem_shared>>
      tpu.enqueue_dma source(%arg13 : memref<64x128xf32, #tpu.memory_space<vmem>>) target(%dma_start3A_86 : memref<64x128xf32, #tpu.memory_space<vmem_shared>>) target_semaphore(%run_scoped3A_82 : memref<!tpu.dma_semaphore, #tpu.memory_space<semaphore_mem>>)
      %dma_wait3A_87 = arith.constant 0 : i32
      %dma_wait3A_88 = tpu.memref_slice %arg6[%add3A_15, %dma_wait3A_87] : memref<10240x128xf32, #tpu.memory_space<vmem_shared>> -> memref<64x128xf32, #tpu.memory_space<vmem_shared>>
      %dma_wait3A_89 = arith.constant 0 : i32
      %dma_wait3A_90 = tpu.memref_slice %arg6[%add3A_15, %dma_wait3A_89] : memref<10240x128xf32, #tpu.memory_space<vmem_shared>> -> memref<64x128xf32, #tpu.memory_space<vmem_shared>>
      tpu.wait_dma2 semaphore(%run_scoped3A_82 : memref<!tpu.dma_semaphore, #tpu.memory_space<semaphore_mem>>) src(%arg13 : memref<64x128xf32, #tpu.memory_space<vmem>>) dst(%dma_wait3A_90 : memref<64x128xf32, #tpu.memory_space<vmem_shared>>)
      tpu.yield
    }) : () -> ()
    %mul3A_16 = arith.constant 640 : i32
    %mul3A_17 = arith.muli %arg1, %mul3A_16 : i32
    %add3A_18 = arith.constant 128 : i32
    %add3A_19 = arith.addi %mul3A_17, %add3A_18 : i32
    "tpu.region"() ({
      %run_scoped3A_82 = tpu.sem_alloc : memref<!tpu.dma_semaphore, #tpu.memory_space<semaphore_mem>>
      %dma_start3A_83 = arith.constant 0 : i32
      %dma_start3A_84 = tpu.memref_slice %arg6[%add3A_19, %dma_start3A_83] : memref<10240x128xf32, #tpu.memory_space<vmem_shared>> -> memref<64x128xf32, #tpu.memory_space<vmem_shared>>
      %dma_start3A_85 = arith.constant 0 : i32
      %dma_start3A_86 = tpu.memref_slice %arg6[%add3A_19, %dma_start3A_85] : memref<10240x128xf32, #tpu.memory_space<vmem_shared>> -> memref<64x128xf32, #tpu.memory_space<vmem_shared>>
      tpu.enqueue_dma source(%arg13 : memref<64x128xf32, #tpu.memory_space<vmem>>) target(%dma_start3A_86 : memref<64x128xf32, #tpu.memory_space<vmem_shared>>) target_semaphore(%run_scoped3A_82 : memref<!tpu.dma_semaphore, #tpu.memory_space<semaphore_mem>>)
      %dma_wait3A_87 = arith.constant 0 : i32
      %dma_wait3A_88 = tpu.memref_slice %arg6[%add3A_19, %dma_wait3A_87] : memref<10240x128xf32, #tpu.memory_space<vmem_shared>> -> memref<64x128xf32, #tpu.memory_space<vmem_shared>>
      %dma_wait3A_89 = arith.constant 0 : i32
      %dma_wait3A_90 = tpu.memref_slice %arg6[%add3A_19, %dma_wait3A_89] : memref<10240x128xf32, #tpu.memory_space<vmem_shared>> -> memref<64x128xf32, #tpu.memory_space<vmem_shared>>
      tpu.wait_dma2 semaphore(%run_scoped3A_82 : memref<!tpu.dma_semaphore, #tpu.memory_space<semaphore_mem>>) src(%arg13 : memref<64x128xf32, #tpu.memory_space<vmem>>) dst(%dma_wait3A_90 : memref<64x128xf32, #tpu.memory_space<vmem_shared>>)
      tpu.yield
    }) : () -> ()
    %mul3A_20 = arith.constant 640 : i32
    %mul3A_21 = arith.muli %arg1, %mul3A_20 : i32
    %add3A_22 = arith.constant 192 : i32
    %add3A_23 = arith.addi %mul3A_21, %add3A_22 : i32
    "tpu.region"() ({
      %run_scoped3A_82 = tpu.sem_alloc : memref<!tpu.dma_semaphore, #tpu.memory_space<semaphore_mem>>
      %dma_start3A_83 = arith.constant 0 : i32
      %dma_start3A_84 = tpu.memref_slice %arg6[%add3A_23, %dma_start3A_83] : memref<10240x128xf32, #tpu.memory_space<vmem_shared>> -> memref<64x128xf32, #tpu.memory_space<vmem_shared>>
      %dma_start3A_85 = arith.constant 0 : i32
      %dma_start3A_86 = tpu.memref_slice %arg6[%add3A_23, %dma_start3A_85] : memref<10240x128xf32, #tpu.memory_space<vmem_shared>> -> memref<64x128xf32, #tpu.memory_space<vmem_shared>>
      tpu.enqueue_dma source(%arg13 : memref<64x128xf32, #tpu.memory_space<vmem>>) target(%dma_start3A_86 : memref<64x128xf32, #tpu.memory_space<vmem_shared>>) target_semaphore(%run_scoped3A_82 : memref<!tpu.dma_semaphore, #tpu.memory_space<semaphore_mem>>)
      %dma_wait3A_87 = arith.constant 0 : i32
      %dma_wait3A_88 = tpu.memref_slice %arg6[%add3A_23, %dma_wait3A_87] : memref<10240x128xf32, #tpu.memory_space<vmem_shared>> -> memref<64x128xf32, #tpu.memory_space<vmem_shared>>
      %dma_wait3A_89 = arith.constant 0 : i32
      %dma_wait3A_90 = tpu.memref_slice %arg6[%add3A_23, %dma_wait3A_89] : memref<10240x128xf32, #tpu.memory_space<vmem_shared>> -> memref<64x128xf32, #tpu.memory_space<vmem_shared>>
      tpu.wait_dma2 semaphore(%run_scoped3A_82 : memref<!tpu.dma_semaphore, #tpu.memory_space<semaphore_mem>>) src(%arg13 : memref<64x128xf32, #tpu.memory_space<vmem>>) dst(%dma_wait3A_90 : memref<64x128xf32, #tpu.memory_space<vmem_shared>>)
      tpu.yield
    }) : () -> ()
    %mul3A_24 = arith.constant 640 : i32
    %mul3A_25 = arith.muli %arg1, %mul3A_24 : i32
    %add3A_26 = arith.constant 256 : i32
    %add3A_27 = arith.addi %mul3A_25, %add3A_26 : i32
    "tpu.region"() ({
      %run_scoped3A_82 = tpu.sem_alloc : memref<!tpu.dma_semaphore, #tpu.memory_space<semaphore_mem>>
      %dma_start3A_83 = arith.constant 0 : i32
      %dma_start3A_84 = tpu.memref_slice %arg6[%add3A_27, %dma_start3A_83] : memref<10240x128xf32, #tpu.memory_space<vmem_shared>> -> memref<64x128xf32, #tpu.memory_space<vmem_shared>>
      %dma_start3A_85 = arith.constant 0 : i32
      %dma_start3A_86 = tpu.memref_slice %arg6[%add3A_27, %dma_start3A_85] : memref<10240x128xf32, #tpu.memory_space<vmem_shared>> -> memref<64x128xf32, #tpu.memory_space<vmem_shared>>
      tpu.enqueue_dma source(%arg13 : memref<64x128xf32, #tpu.memory_space<vmem>>) target(%dma_start3A_86 : memref<64x128xf32, #tpu.memory_space<vmem_shared>>) target_semaphore(%run_scoped3A_82 : memref<!tpu.dma_semaphore, #tpu.memory_space<semaphore_mem>>)
      %dma_wait3A_87 = arith.constant 0 : i32
      %dma_wait3A_88 = tpu.memref_slice %arg6[%add3A_27, %dma_wait3A_87] : memref<10240x128xf32, #tpu.memory_space<vmem_shared>> -> memref<64x128xf32, #tpu.memory_space<vmem_shared>>
      %dma_wait3A_89 = arith.constant 0 : i32
      %dma_wait3A_90 = tpu.memref_slice %arg6[%add3A_27, %dma_wait3A_89] : memref<10240x128xf32, #tpu.memory_space<vmem_shared>> -> memref<64x128xf32, #tpu.memory_space<vmem_shared>>
      tpu.wait_dma2 semaphore(%run_scoped3A_82 : memref<!tpu.dma_semaphore, #tpu.memory_space<semaphore_mem>>) src(%arg13 : memref<64x128xf32, #tpu.memory_space<vmem>>) dst(%dma_wait3A_90 : memref<64x128xf32, #tpu.memory_space<vmem_shared>>)
      tpu.yield
    }) : () -> ()
    %mul3A_28 = arith.constant 640 : i32
    %mul3A_29 = arith.muli %arg1, %mul3A_28 : i32
    %add3A_30 = arith.constant 320 : i32
    %add3A_31 = arith.addi %mul3A_29, %add3A_30 : i32
    "tpu.region"() ({
      %run_scoped3A_82 = tpu.sem_alloc : memref<!tpu.dma_semaphore, #tpu.memory_space<semaphore_mem>>
      %dma_start3A_83 = arith.constant 0 : i32
      %dma_start3A_84 = tpu.memref_slice %arg6[%add3A_31, %dma_start3A_83] : memref<10240x128xf32, #tpu.memory_space<vmem_shared>> -> memref<64x128xf32, #tpu.memory_space<vmem_shared>>
      %dma_start3A_85 = arith.constant 0 : i32
      %dma_start3A_86 = tpu.memref_slice %arg6[%add3A_31, %dma_start3A_85] : memref<10240x128xf32, #tpu.memory_space<vmem_shared>> -> memref<64x128xf32, #tpu.memory_space<vmem_shared>>
      tpu.enqueue_dma source(%arg13 : memref<64x128xf32, #tpu.memory_space<vmem>>) target(%dma_start3A_86 : memref<64x128xf32, #tpu.memory_space<vmem_shared>>) target_semaphore(%run_scoped3A_82 : memref<!tpu.dma_semaphore, #tpu.memory_space<semaphore_mem>>)
      %dma_wait3A_87 = arith.constant 0 : i32
      %dma_wait3A_88 = tpu.memref_slice %arg6[%add3A_31, %dma_wait3A_87] : memref<10240x128xf32, #tpu.memory_space<vmem_shared>> -> memref<64x128xf32, #tpu.memory_space<vmem_shared>>
      %dma_wait3A_89 = arith.constant 0 : i32
      %dma_wait3A_90 = tpu.memref_slice %arg6[%add3A_31, %dma_wait3A_89] : memref<10240x128xf32, #tpu.memory_space<vmem_shared>> -> memref<64x128xf32, #tpu.memory_space<vmem_shared>>
      tpu.wait_dma2 semaphore(%run_scoped3A_82 : memref<!tpu.dma_semaphore, #tpu.memory_space<semaphore_mem>>) src(%arg13 : memref<64x128xf32, #tpu.memory_space<vmem>>) dst(%dma_wait3A_90 : memref<64x128xf32, #tpu.memory_space<vmem_shared>>)
      tpu.yield
    }) : () -> ()
    %mul3A_32 = arith.constant 640 : i32
    %mul3A_33 = arith.muli %arg1, %mul3A_32 : i32
    %add3A_34 = arith.constant 384 : i32
    %add3A_35 = arith.addi %mul3A_33, %add3A_34 : i32
    "tpu.region"() ({
      %run_scoped3A_82 = tpu.sem_alloc : memref<!tpu.dma_semaphore, #tpu.memory_space<semaphore_mem>>
      %dma_start3A_83 = arith.constant 0 : i32
      %dma_start3A_84 = tpu.memref_slice %arg6[%add3A_35, %dma_start3A_83] : memref<10240x128xf32, #tpu.memory_space<vmem_shared>> -> memref<64x128xf32, #tpu.memory_space<vmem_shared>>
      %dma_start3A_85 = arith.constant 0 : i32
      %dma_start3A_86 = tpu.memref_slice %arg6[%add3A_35, %dma_start3A_85] : memref<10240x128xf32, #tpu.memory_space<vmem_shared>> -> memref<64x128xf32, #tpu.memory_space<vmem_shared>>
      tpu.enqueue_dma source(%arg13 : memref<64x128xf32, #tpu.memory_space<vmem>>) target(%dma_start3A_86 : memref<64x128xf32, #tpu.memory_space<vmem_shared>>) target_semaphore(%run_scoped3A_82 : memref<!tpu.dma_semaphore, #tpu.memory_space<semaphore_mem>>)
      %dma_wait3A_87 = arith.constant 0 : i32
      %dma_wait3A_88 = tpu.memref_slice %arg6[%add3A_35, %dma_wait3A_87] : memref<10240x128xf32, #tpu.memory_space<vmem_shared>> -> memref<64x128xf32, #tpu.memory_space<vmem_shared>>
      %dma_wait3A_89 = arith.constant 0 : i32
      %dma_wait3A_90 = tpu.memref_slice %arg6[%add3A_35, %dma_wait3A_89] : memref<10240x128xf32, #tpu.memory_space<vmem_shared>> -> memref<64x128xf32, #tpu.memory_space<vmem_shared>>
      tpu.wait_dma2 semaphore(%run_scoped3A_82 : memref<!tpu.dma_semaphore, #tpu.memory_space<semaphore_mem>>) src(%arg13 : memref<64x128xf32, #tpu.memory_space<vmem>>) dst(%dma_wait3A_90 : memref<64x128xf32, #tpu.memory_space<vmem_shared>>)
      tpu.yield
    }) : () -> ()
    %mul3A_36 = arith.constant 640 : i32
    %mul3A_37 = arith.muli %arg1, %mul3A_36 : i32
    %add3A_38 = arith.constant 448 : i32
    %add3A_39 = arith.addi %mul3A_37, %add3A_38 : i32
    "tpu.region"() ({
      %run_scoped3A_82 = tpu.sem_alloc : memref<!tpu.dma_semaphore, #tpu.memory_space<semaphore_mem>>
      %dma_start3A_83 = arith.constant 0 : i32
      %dma_start3A_84 = tpu.memref_slice %arg6[%add3A_39, %dma_start3A_83] : memref<10240x128xf32, #tpu.memory_space<vmem_shared>> -> memref<64x128xf32, #tpu.memory_space<vmem_shared>>
      %dma_start3A_85 = arith.constant 0 : i32
      %dma_start3A_86 = tpu.memref_slice %arg6[%add3A_39, %dma_start3A_85] : memref<10240x128xf32, #tpu.memory_space<vmem_shared>> -> memref<64x128xf32, #tpu.memory_space<vmem_shared>>
      tpu.enqueue_dma source(%arg13 : memref<64x128xf32, #tpu.memory_space<vmem>>) target(%dma_start3A_86 : memref<64x128xf32, #tpu.memory_space<vmem_shared>>) target_semaphore(%run_scoped3A_82 : memref<!tpu.dma_semaphore, #tpu.memory_space<semaphore_mem>>)
      %dma_wait3A_87 = arith.constant 0 : i32
      %dma_wait3A_88 = tpu.memref_slice %arg6[%add3A_39, %dma_wait3A_87] : memref<10240x128xf32, #tpu.memory_space<vmem_shared>> -> memref<64x128xf32, #tpu.memory_space<vmem_shared>>
      %dma_wait3A_89 = arith.constant 0 : i32
      %dma_wait3A_90 = tpu.memref_slice %arg6[%add3A_39, %dma_wait3A_89] : memref<10240x128xf32, #tpu.memory_space<vmem_shared>> -> memref<64x128xf32, #tpu.memory_space<vmem_shared>>
      tpu.wait_dma2 semaphore(%run_scoped3A_82 : memref<!tpu.dma_semaphore, #tpu.memory_space<semaphore_mem>>) src(%arg13 : memref<64x128xf32, #tpu.memory_space<vmem>>) dst(%dma_wait3A_90 : memref<64x128xf32, #tpu.memory_space<vmem_shared>>)
      tpu.yield
    }) : () -> ()
    %mul3A_40 = arith.constant 640 : i32
    %mul3A_41 = arith.muli %arg1, %mul3A_40 : i32
    %add3A_42 = arith.constant 512 : i32
    %add3A_43 = arith.addi %mul3A_41, %add3A_42 : i32
    "tpu.region"() ({
      %run_scoped3A_82 = tpu.sem_alloc : memref<!tpu.dma_semaphore, #tpu.memory_space<semaphore_mem>>
      %dma_start3A_83 = arith.constant 0 : i32
      %dma_start3A_84 = tpu.memref_slice %arg6[%add3A_43, %dma_start3A_83] : memref<10240x128xf32, #tpu.memory_space<vmem_shared>> -> memref<64x128xf32, #tpu.memory_space<vmem_shared>>
      %dma_start3A_85 = arith.constant 0 : i32
      %dma_start3A_86 = tpu.memref_slice %arg6[%add3A_43, %dma_start3A_85] : memref<10240x128xf32, #tpu.memory_space<vmem_shared>> -> memref<64x128xf32, #tpu.memory_space<vmem_shared>>
      tpu.enqueue_dma source(%arg13 : memref<64x128xf32, #tpu.memory_space<vmem>>) target(%dma_start3A_86 : memref<64x128xf32, #tpu.memory_space<vmem_shared>>) target_semaphore(%run_scoped3A_82 : memref<!tpu.dma_semaphore, #tpu.memory_space<semaphore_mem>>)
      %dma_wait3A_87 = arith.constant 0 : i32
      %dma_wait3A_88 = tpu.memref_slice %arg6[%add3A_43, %dma_wait3A_87] : memref<10240x128xf32, #tpu.memory_space<vmem_shared>> -> memref<64x128xf32, #tpu.memory_space<vmem_shared>>
      %dma_wait3A_89 = arith.constant 0 : i32
      %dma_wait3A_90 = tpu.memref_slice %arg6[%add3A_43, %dma_wait3A_89] : memref<10240x128xf32, #tpu.memory_space<vmem_shared>> -> memref<64x128xf32, #tpu.memory_space<vmem_shared>>
      tpu.wait_dma2 semaphore(%run_scoped3A_82 : memref<!tpu.dma_semaphore, #tpu.memory_space<semaphore_mem>>) src(%arg13 : memref<64x128xf32, #tpu.memory_space<vmem>>) dst(%dma_wait3A_90 : memref<64x128xf32, #tpu.memory_space<vmem_shared>>)
      tpu.yield
    }) : () -> ()
    %mul3A_44 = arith.constant 640 : i32
    %mul3A_45 = arith.muli %arg1, %mul3A_44 : i32
    %add3A_46 = arith.constant 576 : i32
    %add3A_47 = arith.addi %mul3A_45, %add3A_46 : i32
    "tpu.region"() ({
      %run_scoped3A_82 = tpu.sem_alloc : memref<!tpu.dma_semaphore, #tpu.memory_space<semaphore_mem>>
      %dma_start3A_83 = arith.constant 0 : i32
      %dma_start3A_84 = tpu.memref_slice %arg6[%add3A_47, %dma_start3A_83] : memref<10240x128xf32, #tpu.memory_space<vmem_shared>> -> memref<64x128xf32, #tpu.memory_space<vmem_shared>>
      %dma_start3A_85 = arith.constant 0 : i32
      %dma_start3A_86 = tpu.memref_slice %arg6[%add3A_47, %dma_start3A_85] : memref<10240x128xf32, #tpu.memory_space<vmem_shared>> -> memref<64x128xf32, #tpu.memory_space<vmem_shared>>
      tpu.enqueue_dma source(%arg13 : memref<64x128xf32, #tpu.memory_space<vmem>>) target(%dma_start3A_86 : memref<64x128xf32, #tpu.memory_space<vmem_shared>>) target_semaphore(%run_scoped3A_82 : memref<!tpu.dma_semaphore, #tpu.memory_space<semaphore_mem>>)
      %dma_wait3A_87 = arith.constant 0 : i32
      %dma_wait3A_88 = tpu.memref_slice %arg6[%add3A_47, %dma_wait3A_87] : memref<10240x128xf32, #tpu.memory_space<vmem_shared>> -> memref<64x128xf32, #tpu.memory_space<vmem_shared>>
      %dma_wait3A_89 = arith.constant 0 : i32
      %dma_wait3A_90 = tpu.memref_slice %arg6[%add3A_47, %dma_wait3A_89] : memref<10240x128xf32, #tpu.memory_space<vmem_shared>> -> memref<64x128xf32, #tpu.memory_space<vmem_shared>>
      tpu.wait_dma2 semaphore(%run_scoped3A_82 : memref<!tpu.dma_semaphore, #tpu.memory_space<semaphore_mem>>) src(%arg13 : memref<64x128xf32, #tpu.memory_space<vmem>>) dst(%dma_wait3A_90 : memref<64x128xf32, #tpu.memory_space<vmem_shared>>)
      tpu.yield
    }) : () -> ()
    %barrier3A = arith.constant 0 : index
    tpu.barrier barrier_id(%barrier3A)
    %run_scoped3A = arith.constant 0 : i32
    "tpu.region"() ({
      %run_scoped3A_82 = tpu.sem_alloc : memref<!tpu.dma_semaphore, #tpu.memory_space<semaphore_mem>>
      %dma_start3A_83 = arith.constant 0 : i32
      %dma_start3A_84 = tpu.memref_slice %arg4[%add3A, %run_scoped3A, %dma_start3A_83] : memref<32x160x64xi32, #tpu.memory_space<hbm>> -> memref<1x1x64xi32, #tpu.memory_space<hbm>>
      %dma_start3A_85 = tpu.memref_squeeze %dma_start3A_84 : memref<1x1x64xi32, #tpu.memory_space<hbm>> -> memref<64xi32, #tpu.memory_space<hbm>>
      %dma_start3A_86 = arith.constant 0 : i32
      %dma_start3A_87 = tpu.memref_slice %arg4[%add3A, %run_scoped3A, %dma_start3A_86] : memref<32x160x64xi32, #tpu.memory_space<hbm>> -> memref<1x1x64xi32, #tpu.memory_space<hbm>>
      %dma_start3A_88 = tpu.memref_squeeze %dma_start3A_87 : memref<1x1x64xi32, #tpu.memory_space<hbm>> -> memref<64xi32, #tpu.memory_space<hbm>>
      tpu.enqueue_dma source(%dma_start3A_88 : memref<64xi32, #tpu.memory_space<hbm>>) target(%arg11 : memref<64xi32, #tpu.memory_space<vmem>>) target_semaphore(%run_scoped3A_82 : memref<!tpu.dma_semaphore, #tpu.memory_space<semaphore_mem>>)
      %dma_wait3A_89 = arith.constant 0 : i32
      %dma_wait3A_90 = tpu.memref_slice %arg4[%add3A, %run_scoped3A, %dma_wait3A_89] : memref<32x160x64xi32, #tpu.memory_space<hbm>> -> memref<1x1x64xi32, #tpu.memory_space<hbm>>
      %dma_wait3A_91 = tpu.memref_squeeze %dma_wait3A_90 : memref<1x1x64xi32, #tpu.memory_space<hbm>> -> memref<64xi32, #tpu.memory_space<hbm>>
      %dma_wait3A_92 = arith.constant 0 : i32
      %dma_wait3A_93 = tpu.memref_slice %arg4[%add3A, %run_scoped3A, %dma_wait3A_92] : memref<32x160x64xi32, #tpu.memory_space<hbm>> -> memref<1x1x64xi32, #tpu.memory_space<hbm>>
      %dma_wait3A_94 = tpu.memref_squeeze %dma_wait3A_93 : memref<1x1x64xi32, #tpu.memory_space<hbm>> -> memref<64xi32, #tpu.memory_space<hbm>>
      tpu.wait_dma2 semaphore(%run_scoped3A_82 : memref<!tpu.dma_semaphore, #tpu.memory_space<semaphore_mem>>) src(%dma_wait3A_94 : memref<64xi32, #tpu.memory_space<hbm>>) dst(%arg11 : memref<64xi32, #tpu.memory_space<vmem>>)
      tpu.yield
    }) : () -> ()
    %dma_start3A = arith.constant 0 : i32
    %dma_start3A_48 = arith.constant 0 : i32
    %dma_start3A_49 = tpu.memref_slice %arg3[%add3A, %dma_start3A, %dma_start3A_48] : memref<32x160x64xi32, #tpu.memory_space<hbm>> -> memref<1x1x64xi32, #tpu.memory_space<hbm>>
    %dma_start3A_50 = tpu.memref_squeeze %dma_start3A_49 : memref<1x1x64xi32, #tpu.memory_space<hbm>> -> memref<64xi32, #tpu.memory_space<hbm>>
    %dma_start3A_51 = arith.constant 0 : i32
    %dma_start3A_52 = tpu.memref_slice %arg3[%add3A, %dma_start3A, %dma_start3A_51] : memref<32x160x64xi32, #tpu.memory_space<hbm>> -> memref<1x1x64xi32, #tpu.memory_space<hbm>>
    %dma_start3A_53 = tpu.memref_squeeze %dma_start3A_52 : memref<1x1x64xi32, #tpu.memory_space<hbm>> -> memref<64xi32, #tpu.memory_space<hbm>>
    tpu.enqueue_dma source(%dma_start3A_53 : memref<64xi32, #tpu.memory_space<hbm>>) target(%arg7 : memref<64xi32, #tpu.memory_space<vmem>>) target_semaphore(%arg16 : memref<!tpu.dma_semaphore, #tpu.memory_space<semaphore_mem>>)
    %dma_start3A_54 = arith.constant 1 : i32
    %dma_start3A_55 = arith.constant 0 : i32
    %dma_start3A_56 = tpu.memref_slice %arg3[%add3A, %dma_start3A_54, %dma_start3A_55] : memref<32x160x64xi32, #tpu.memory_space<hbm>> -> memref<1x1x64xi32, #tpu.memory_space<hbm>>
    %dma_start3A_57 = tpu.memref_squeeze %dma_start3A_56 : memref<1x1x64xi32, #tpu.memory_space<hbm>> -> memref<64xi32, #tpu.memory_space<hbm>>
    %dma_start3A_58 = arith.constant 0 : i32
    %dma_start3A_59 = tpu.memref_slice %arg3[%add3A, %dma_start3A_54, %dma_start3A_58] : memref<32x160x64xi32, #tpu.memory_space<hbm>> -> memref<1x1x64xi32, #tpu.memory_space<hbm>>
    %dma_start3A_60 = tpu.memref_squeeze %dma_start3A_59 : memref<1x1x64xi32, #tpu.memory_space<hbm>> -> memref<64xi32, #tpu.memory_space<hbm>>
    tpu.enqueue_dma source(%dma_start3A_60 : memref<64xi32, #tpu.memory_space<hbm>>) target(%arg8 : memref<64xi32, #tpu.memory_space<vmem>>) target_semaphore(%arg16 : memref<!tpu.dma_semaphore, #tpu.memory_space<semaphore_mem>>)
    %dma_wait3A = arith.constant 0 : i32
    %dma_wait3A_61 = arith.constant 0 : i32
    %dma_wait3A_62 = tpu.memref_slice %arg3[%add3A, %dma_wait3A, %dma_wait3A_61] : memref<32x160x64xi32, #tpu.memory_space<hbm>> -> memref<1x1x64xi32, #tpu.memory_space<hbm>>
    %dma_wait3A_63 = tpu.memref_squeeze %dma_wait3A_62 : memref<1x1x64xi32, #tpu.memory_space<hbm>> -> memref<64xi32, #tpu.memory_space<hbm>>
    %dma_wait3A_64 = arith.constant 0 : i32
    %dma_wait3A_65 = tpu.memref_slice %arg3[%add3A, %dma_wait3A, %dma_wait3A_64] : memref<32x160x64xi32, #tpu.memory_space<hbm>> -> memref<1x1x64xi32, #tpu.memory_space<hbm>>
    %dma_wait3A_66 = tpu.memref_squeeze %dma_wait3A_65 : memref<1x1x64xi32, #tpu.memory_space<hbm>> -> memref<64xi32, #tpu.memory_space<hbm>>
    tpu.wait_dma2 semaphore(%arg16 : memref<!tpu.dma_semaphore, #tpu.memory_space<semaphore_mem>>) src(%dma_wait3A_66 : memref<64xi32, #tpu.memory_space<hbm>>) dst(%arg7 : memref<64xi32, #tpu.memory_space<vmem>>)
    %dma_start3A_67 = arith.constant 0 : i32
    %dma_start3A_68 = arith.constant 0 : i32
    %dma_start3A_69 = tpu.memref_slice %arg2[%dma_start3A_67, %dma_start3A_68] : memref<12288x128xf32, #tpu.memory_space<hbm>> -> memref<12288x128xf32, #tpu.memory_space<hbm>>
    tpu.enqueue_indirect_dma source(%dma_start3A_69 : memref<12288x128xf32, #tpu.memory_space<hbm>>) target(%arg13 : memref<64x128xf32, #tpu.memory_space<vmem>>) offsets(%arg7 : memref<64xi32, #tpu.memory_space<vmem>>) semaphore(%arg15 : memref<!tpu.dma_semaphore, #tpu.memory_space<semaphore_mem>>)
    %scan3A_70 = arith.constant 0 : i32
    %scan3A_71 = arith.constant 0 : i32
    %scan3A_72 = arith.constant 40 : i32
    %scan3A_73 = arith.addi %scan3A_71, %scan3A_72 : i32
    %scan3A_74 = arith.constant 1 : i32
    %scan3A_75 = scf.for %scan3A_82 = %scan3A_71 to %scan3A_73 step %scan3A_74 iter_args(%scan3A_83 = %scan3A_70) -> (i32)  : i32 {
      %mul3A_84 = arith.constant 4 : i32
      %mul3A_85 = arith.muli %mul3A_84, %scan3A_82 : i32
      %add3A_86 = arith.constant 0 : i32
      %add3A_87 = arith.addi %mul3A_85, %add3A_86 : i32
      %add3A_88 = arith.constant 2 : i32
      %add3A_89 = arith.addi %add3A_87, %add3A_88 : i32
      %lt3A = arith.constant 160 : i32
      %lt3A_90 = arith.cmpi slt, %add3A_89, %lt3A : i32
      %convert_element_type3A = arith.extui %lt3A_90 : i1 to i32
      %cond3A = arith.constant 0 : i32
      %cond3A_91 = arith.cmpi ne, %convert_element_type3A, %cond3A : i32
      scf.if %cond3A_91 {
        %add3A_185 = arith.constant 2 : i32
        %add3A_186 = arith.addi %add3A_87, %add3A_185 : i32
        %dma_start3A_187 = arith.constant 0 : i32
        %dma_start3A_188 = tpu.memref_slice %arg3[%add3A, %add3A_186, %dma_start3A_187] : memref<32x160x64xi32, #tpu.memory_space<hbm>> -> memref<1x1x64xi32, #tpu.memory_space<hbm>>
        %dma_start3A_189 = tpu.memref_squeeze %dma_start3A_188 : memref<1x1x64xi32, #tpu.memory_space<hbm>> -> memref<64xi32, #tpu.memory_space<hbm>>
        %dma_start3A_190 = arith.constant 0 : i32
        %dma_start3A_191 = tpu.memref_slice %arg3[%add3A, %add3A_186, %dma_start3A_190] : memref<32x160x64xi32, #tpu.memory_space<hbm>> -> memref<1x1x64xi32, #tpu.memory_space<hbm>>
        %dma_start3A_192 = tpu.memref_squeeze %dma_start3A_191 : memref<1x1x64xi32, #tpu.memory_space<hbm>> -> memref<64xi32, #tpu.memory_space<hbm>>
        tpu.enqueue_dma source(%dma_start3A_192 : memref<64xi32, #tpu.memory_space<hbm>>) target(%arg9 : memref<64xi32, #tpu.memory_space<vmem>>) target_semaphore(%arg16 : memref<!tpu.dma_semaphore, #tpu.memory_space<semaphore_mem>>)
      } else {
      }
      %add3A_92 = arith.constant 1 : i32
      %add3A_93 = arith.addi %add3A_87, %add3A_92 : i32
      %lt3A_94 = arith.constant 160 : i32
      %lt3A_95 = arith.cmpi slt, %add3A_93, %lt3A_94 : i32
      %convert_element_type3A_96 = arith.extui %lt3A_95 : i1 to i32
      %cond3A_97 = arith.constant 0 : i32
      %cond3A_98 = arith.cmpi ne, %convert_element_type3A_96, %cond3A_97 : i32
      scf.if %cond3A_98 {
        %add3A_185 = arith.constant 1 : i32
        %add3A_186 = arith.addi %add3A_87, %add3A_185 : i32
        %dma_wait3A_187 = arith.constant 0 : i32
        %dma_wait3A_188 = tpu.memref_slice %arg3[%add3A, %add3A_186, %dma_wait3A_187] : memref<32x160x64xi32, #tpu.memory_space<hbm>> -> memref<1x1x64xi32, #tpu.memory_space<hbm>>
        %dma_wait3A_189 = tpu.memref_squeeze %dma_wait3A_188 : memref<1x1x64xi32, #tpu.memory_space<hbm>> -> memref<64xi32, #tpu.memory_space<hbm>>
        %dma_wait3A_190 = arith.constant 0 : i32
        %dma_wait3A_191 = tpu.memref_slice %arg3[%add3A, %add3A_186, %dma_wait3A_190] : memref<32x160x64xi32, #tpu.memory_space<hbm>> -> memref<1x1x64xi32, #tpu.memory_space<hbm>>
        %dma_wait3A_192 = tpu.memref_squeeze %dma_wait3A_191 : memref<1x1x64xi32, #tpu.memory_space<hbm>> -> memref<64xi32, #tpu.memory_space<hbm>>
        tpu.wait_dma2 semaphore(%arg16 : memref<!tpu.dma_semaphore, #tpu.memory_space<semaphore_mem>>) src(%dma_wait3A_192 : memref<64xi32, #tpu.memory_space<hbm>>) dst(%arg8 : memref<64xi32, #tpu.memory_space<vmem>>)
        %dma_start3A_193 = arith.constant 0 : i32
        %dma_start3A_194 = arith.constant 0 : i32
        %dma_start3A_195 = tpu.memref_slice %arg2[%dma_start3A_193, %dma_start3A_194] : memref<12288x128xf32, #tpu.memory_space<hbm>> -> memref<12288x128xf32, #tpu.memory_space<hbm>>
        tpu.enqueue_indirect_dma source(%dma_start3A_195 : memref<12288x128xf32, #tpu.memory_space<hbm>>) target(%arg14 : memref<64x128xf32, #tpu.memory_space<vmem>>) offsets(%arg8 : memref<64xi32, #tpu.memory_space<vmem>>) semaphore(%arg15 : memref<!tpu.dma_semaphore, #tpu.memory_space<semaphore_mem>>)
        %add3A_196 = arith.constant 1 : i32
        %add3A_197 = arith.addi %add3A_87, %add3A_196 : i32
        %dma_start3A_198 = arith.constant 0 : i32
        %dma_start3A_199 = tpu.memref_slice %arg4[%add3A, %add3A_197, %dma_start3A_198] : memref<32x160x64xi32, #tpu.memory_space<hbm>> -> memref<1x1x64xi32, #tpu.memory_space<hbm>>
        %dma_start3A_200 = tpu.memref_squeeze %dma_start3A_199 : memref<1x1x64xi32, #tpu.memory_space<hbm>> -> memref<64xi32, #tpu.memory_space<hbm>>
        %dma_start3A_201 = arith.constant 0 : i32
        %dma_start3A_202 = tpu.memref_slice %arg4[%add3A, %add3A_197, %dma_start3A_201] : memref<32x160x64xi32, #tpu.memory_space<hbm>> -> memref<1x1x64xi32, #tpu.memory_space<hbm>>
        %dma_start3A_203 = tpu.memref_squeeze %dma_start3A_202 : memref<1x1x64xi32, #tpu.memory_space<hbm>> -> memref<64xi32, #tpu.memory_space<hbm>>
        tpu.enqueue_dma source(%dma_start3A_203 : memref<64xi32, #tpu.memory_space<hbm>>) target(%arg12 : memref<64xi32, #tpu.memory_space<vmem>>) target_semaphore(%arg17 : memref<!tpu.dma_semaphore, #tpu.memory_space<semaphore_mem>>)
      } else {
      }
      %dma_wait3A_99 = arith.constant 0 : i32
      %dma_wait3A_100 = arith.constant 0 : i32
      %dma_wait3A_101 = tpu.memref_slice %arg2[%dma_wait3A_99, %dma_wait3A_100] : memref<12288x128xf32, #tpu.memory_space<hbm>> -> memref<12288x128xf32, #tpu.memory_space<hbm>>
      tpu.wait_indirect_dma semaphore(%arg15 : memref<!tpu.dma_semaphore, #tpu.memory_space<semaphore_mem>>) src(%dma_wait3A_101 : memref<12288x128xf32, #tpu.memory_space<hbm>>) dst(%arg13 : memref<64x128xf32, #tpu.memory_space<vmem>>)
      %gt3A = arith.constant 0 : i32
      %gt3A_102 = arith.cmpi sgt, %add3A_87, %gt3A : i32
      %convert_element_type3A_103 = arith.extui %gt3A_102 : i1 to i32
      %cond3A_104 = arith.constant 0 : i32
      %cond3A_105 = arith.cmpi ne, %convert_element_type3A_103, %cond3A_104 : i32
      scf.if %cond3A_105 {
        %dma_wait3A_185 = arith.constant 0 : i32
        %dma_wait3A_186 = tpu.memref_slice %arg4[%add3A, %add3A_87, %dma_wait3A_185] : memref<32x160x64xi32, #tpu.memory_space<hbm>> -> memref<1x1x64xi32, #tpu.memory_space<hbm>>
        %dma_wait3A_187 = tpu.memref_squeeze %dma_wait3A_186 : memref<1x1x64xi32, #tpu.memory_space<hbm>> -> memref<64xi32, #tpu.memory_space<hbm>>
        %dma_wait3A_188 = arith.constant 0 : i32
        %dma_wait3A_189 = tpu.memref_slice %arg4[%add3A, %add3A_87, %dma_wait3A_188] : memref<32x160x64xi32, #tpu.memory_space<hbm>> -> memref<1x1x64xi32, #tpu.memory_space<hbm>>
        %dma_wait3A_190 = tpu.memref_squeeze %dma_wait3A_189 : memref<1x1x64xi32, #tpu.memory_space<hbm>> -> memref<64xi32, #tpu.memory_space<hbm>>
        tpu.wait_dma2 semaphore(%arg17 : memref<!tpu.dma_semaphore, #tpu.memory_space<semaphore_mem>>) src(%dma_wait3A_190 : memref<64xi32, #tpu.memory_space<hbm>>) dst(%arg11 : memref<64xi32, #tpu.memory_space<vmem>>)
      } else {
      }
      "tpu.region"() ({
        %run_scoped3A_185 = tpu.sem_alloc : memref<!tpu.dma_semaphore, #tpu.memory_space<semaphore_mem>>
        %dma_start3A_186 = arith.constant 0 : i32
        %dma_start3A_187 = arith.constant 0 : i32
        %dma_start3A_188 = tpu.memref_slice %arg6[%dma_start3A_186, %dma_start3A_187] : memref<10240x128xf32, #tpu.memory_space<vmem_shared>> -> memref<10240x128xf32, #tpu.memory_space<vmem_shared>>
        tpu.enqueue_indirect_dma source(%arg13 : memref<64x128xf32, #tpu.memory_space<vmem>>) target(%dma_start3A_188 : memref<10240x128xf32, #tpu.memory_space<vmem_shared>>) offsets(%arg11 : memref<64xi32, #tpu.memory_space<vmem>>) semaphore(%run_scoped3A_185 : memref<!tpu.dma_semaphore, #tpu.memory_space<semaphore_mem>>) {add = true}
        %dma_wait3A_189 = arith.constant 0 : i32
        %dma_wait3A_190 = arith.constant 0 : i32
        %dma_wait3A_191 = tpu.memref_slice %arg6[%dma_wait3A_189, %dma_wait3A_190] : memref<10240x128xf32, #tpu.memory_space<vmem_shared>> -> memref<10240x128xf32, #tpu.memory_space<vmem_shared>>
        tpu.wait_indirect_dma semaphore(%run_scoped3A_185 : memref<!tpu.dma_semaphore, #tpu.memory_space<semaphore_mem>>) src(%arg13 : memref<64x128xf32, #tpu.memory_space<vmem>>) dst(%dma_wait3A_191 : memref<10240x128xf32, #tpu.memory_space<vmem_shared>>)
        tpu.yield
      }) : () -> ()
      %mul3A_106 = arith.constant 4 : i32
      %mul3A_107 = arith.muli %mul3A_106, %scan3A_82 : i32
      %add3A_108 = arith.constant 1 : i32
      %add3A_109 = arith.addi %mul3A_107, %add3A_108 : i32
      %add3A_110 = arith.constant 2 : i32
      %add3A_111 = arith.addi %add3A_109, %add3A_110 : i32
      %lt3A_112 = arith.constant 160 : i32
      %lt3A_113 = arith.cmpi slt, %add3A_111, %lt3A_112 : i32
      %convert_element_type3A_114 = arith.extui %lt3A_113 : i1 to i32
      %cond3A_115 = arith.constant 0 : i32
      %cond3A_116 = arith.cmpi ne, %convert_element_type3A_114, %cond3A_115 : i32
      scf.if %cond3A_116 {
        %add3A_185 = arith.constant 2 : i32
        %add3A_186 = arith.addi %add3A_109, %add3A_185 : i32
        %dma_start3A_187 = arith.constant 0 : i32
        %dma_start3A_188 = tpu.memref_slice %arg3[%add3A, %add3A_186, %dma_start3A_187] : memref<32x160x64xi32, #tpu.memory_space<hbm>> -> memref<1x1x64xi32, #tpu.memory_space<hbm>>
        %dma_start3A_189 = tpu.memref_squeeze %dma_start3A_188 : memref<1x1x64xi32, #tpu.memory_space<hbm>> -> memref<64xi32, #tpu.memory_space<hbm>>
        %dma_start3A_190 = arith.constant 0 : i32
        %dma_start3A_191 = tpu.memref_slice %arg3[%add3A, %add3A_186, %dma_start3A_190] : memref<32x160x64xi32, #tpu.memory_space<hbm>> -> memref<1x1x64xi32, #tpu.memory_space<hbm>>
        %dma_start3A_192 = tpu.memref_squeeze %dma_start3A_191 : memref<1x1x64xi32, #tpu.memory_space<hbm>> -> memref<64xi32, #tpu.memory_space<hbm>>
        tpu.enqueue_dma source(%dma_start3A_192 : memref<64xi32, #tpu.memory_space<hbm>>) target(%arg10 : memref<64xi32, #tpu.memory_space<vmem>>) target_semaphore(%arg16 : memref<!tpu.dma_semaphore, #tpu.memory_space<semaphore_mem>>)
      } else {
      }
      %add3A_117 = arith.constant 1 : i32
      %add3A_118 = arith.addi %add3A_109, %add3A_117 : i32
      %lt3A_119 = arith.constant 160 : i32
      %lt3A_120 = arith.cmpi slt, %add3A_118, %lt3A_119 : i32
      %convert_element_type3A_121 = arith.extui %lt3A_120 : i1 to i32
      %cond3A_122 = arith.constant 0 : i32
      %cond3A_123 = arith.cmpi ne, %convert_element_type3A_121, %cond3A_122 : i32
      scf.if %cond3A_123 {
        %add3A_185 = arith.constant 1 : i32
        %add3A_186 = arith.addi %add3A_109, %add3A_185 : i32
        %dma_wait3A_187 = arith.constant 0 : i32
        %dma_wait3A_188 = tpu.memref_slice %arg3[%add3A, %add3A_186, %dma_wait3A_187] : memref<32x160x64xi32, #tpu.memory_space<hbm>> -> memref<1x1x64xi32, #tpu.memory_space<hbm>>
        %dma_wait3A_189 = tpu.memref_squeeze %dma_wait3A_188 : memref<1x1x64xi32, #tpu.memory_space<hbm>> -> memref<64xi32, #tpu.memory_space<hbm>>
        %dma_wait3A_190 = arith.constant 0 : i32
        %dma_wait3A_191 = tpu.memref_slice %arg3[%add3A, %add3A_186, %dma_wait3A_190] : memref<32x160x64xi32, #tpu.memory_space<hbm>> -> memref<1x1x64xi32, #tpu.memory_space<hbm>>
        %dma_wait3A_192 = tpu.memref_squeeze %dma_wait3A_191 : memref<1x1x64xi32, #tpu.memory_space<hbm>> -> memref<64xi32, #tpu.memory_space<hbm>>
        tpu.wait_dma2 semaphore(%arg16 : memref<!tpu.dma_semaphore, #tpu.memory_space<semaphore_mem>>) src(%dma_wait3A_192 : memref<64xi32, #tpu.memory_space<hbm>>) dst(%arg9 : memref<64xi32, #tpu.memory_space<vmem>>)
        %dma_start3A_193 = arith.constant 0 : i32
        %dma_start3A_194 = arith.constant 0 : i32
        %dma_start3A_195 = tpu.memref_slice %arg2[%dma_start3A_193, %dma_start3A_194] : memref<12288x128xf32, #tpu.memory_space<hbm>> -> memref<12288x128xf32, #tpu.memory_space<hbm>>
        tpu.enqueue_indirect_dma source(%dma_start3A_195 : memref<12288x128xf32, #tpu.memory_space<hbm>>) target(%arg13 : memref<64x128xf32, #tpu.memory_space<vmem>>) offsets(%arg9 : memref<64xi32, #tpu.memory_space<vmem>>) semaphore(%arg15 : memref<!tpu.dma_semaphore, #tpu.memory_space<semaphore_mem>>)
        %add3A_196 = arith.constant 1 : i32
        %add3A_197 = arith.addi %add3A_109, %add3A_196 : i32
        %dma_start3A_198 = arith.constant 0 : i32
        %dma_start3A_199 = tpu.memref_slice %arg4[%add3A, %add3A_197, %dma_start3A_198] : memref<32x160x64xi32, #tpu.memory_space<hbm>> -> memref<1x1x64xi32, #tpu.memory_space<hbm>>
        %dma_start3A_200 = tpu.memref_squeeze %dma_start3A_199 : memref<1x1x64xi32, #tpu.memory_space<hbm>> -> memref<64xi32, #tpu.memory_space<hbm>>
        %dma_start3A_201 = arith.constant 0 : i32
        %dma_start3A_202 = tpu.memref_slice %arg4[%add3A, %add3A_197, %dma_start3A_201] : memref<32x160x64xi32, #tpu.memory_space<hbm>> -> memref<1x1x64xi32, #tpu.memory_space<hbm>>
        %dma_start3A_203 = tpu.memref_squeeze %dma_start3A_202 : memref<1x1x64xi32, #tpu.memory_space<hbm>> -> memref<64xi32, #tpu.memory_space<hbm>>
        tpu.enqueue_dma source(%dma_start3A_203 : memref<64xi32, #tpu.memory_space<hbm>>) target(%arg11 : memref<64xi32, #tpu.memory_space<vmem>>) target_semaphore(%arg17 : memref<!tpu.dma_semaphore, #tpu.memory_space<semaphore_mem>>)
      } else {
      }
      %dma_wait3A_124 = arith.constant 0 : i32
      %dma_wait3A_125 = arith.constant 0 : i32
      %dma_wait3A_126 = tpu.memref_slice %arg2[%dma_wait3A_124, %dma_wait3A_125] : memref<12288x128xf32, #tpu.memory_space<hbm>> -> memref<12288x128xf32, #tpu.memory_space<hbm>>
      tpu.wait_indirect_dma semaphore(%arg15 : memref<!tpu.dma_semaphore, #tpu.memory_space<semaphore_mem>>) src(%dma_wait3A_126 : memref<12288x128xf32, #tpu.memory_space<hbm>>) dst(%arg14 : memref<64x128xf32, #tpu.memory_space<vmem>>)
      %gt3A_127 = arith.constant 0 : i32
      %gt3A_128 = arith.cmpi sgt, %add3A_109, %gt3A_127 : i32
      %convert_element_type3A_129 = arith.extui %gt3A_128 : i1 to i32
      %cond3A_130 = arith.constant 0 : i32
      %cond3A_131 = arith.cmpi ne, %convert_element_type3A_129, %cond3A_130 : i32
      scf.if %cond3A_131 {
        %dma_wait3A_185 = arith.constant 0 : i32
        %dma_wait3A_186 = tpu.memref_slice %arg4[%add3A, %add3A_109, %dma_wait3A_185] : memref<32x160x64xi32, #tpu.memory_space<hbm>> -> memref<1x1x64xi32, #tpu.memory_space<hbm>>
        %dma_wait3A_187 = tpu.memref_squeeze %dma_wait3A_186 : memref<1x1x64xi32, #tpu.memory_space<hbm>> -> memref<64xi32, #tpu.memory_space<hbm>>
        %dma_wait3A_188 = arith.constant 0 : i32
        %dma_wait3A_189 = tpu.memref_slice %arg4[%add3A, %add3A_109, %dma_wait3A_188] : memref<32x160x64xi32, #tpu.memory_space<hbm>> -> memref<1x1x64xi32, #tpu.memory_space<hbm>>
        %dma_wait3A_190 = tpu.memref_squeeze %dma_wait3A_189 : memref<1x1x64xi32, #tpu.memory_space<hbm>> -> memref<64xi32, #tpu.memory_space<hbm>>
        tpu.wait_dma2 semaphore(%arg17 : memref<!tpu.dma_semaphore, #tpu.memory_space<semaphore_mem>>) src(%dma_wait3A_190 : memref<64xi32, #tpu.memory_space<hbm>>) dst(%arg12 : memref<64xi32, #tpu.memory_space<vmem>>)
      } else {
      }
      "tpu.region"() ({
        %run_scoped3A_185 = tpu.sem_alloc : memref<!tpu.dma_semaphore, #tpu.memory_space<semaphore_mem>>
        %dma_start3A_186 = arith.constant 0 : i32
        %dma_start3A_187 = arith.constant 0 : i32
        %dma_start3A_188 = tpu.memref_slice %arg6[%dma_start3A_186, %dma_start3A_187] : memref<10240x128xf32, #tpu.memory_space<vmem_shared>> -> memref<10240x128xf32, #tpu.memory_space<vmem_shared>>
        tpu.enqueue_indirect_dma source(%arg14 : memref<64x128xf32, #tpu.memory_space<vmem>>) target(%dma_start3A_188 : memref<10240x128xf32, #tpu.memory_space<vmem_shared>>) offsets(%arg12 : memref<64xi32, #tpu.memory_space<vmem>>) semaphore(%run_scoped3A_185 : memref<!tpu.dma_semaphore, #tpu.memory_space<semaphore_mem>>) {add = true}
        %dma_wait3A_189 = arith.constant 0 : i32
        %dma_wait3A_190 = arith.constant 0 : i32
        %dma_wait3A_191 = tpu.memref_slice %arg6[%dma_wait3A_189, %dma_wait3A_190] : memref<10240x128xf32, #tpu.memory_space<vmem_shared>> -> memref<10240x128xf32, #tpu.memory_space<vmem_shared>>
        tpu.wait_indirect_dma semaphore(%run_scoped3A_185 : memref<!tpu.dma_semaphore, #tpu.memory_space<semaphore_mem>>) src(%arg14 : memref<64x128xf32, #tpu.memory_space<vmem>>) dst(%dma_wait3A_191 : memref<10240x128xf32, #tpu.memory_space<vmem_shared>>)
        tpu.yield
      }) : () -> ()
      %mul3A_132 = arith.constant 4 : i32
      %mul3A_133 = arith.muli %mul3A_132, %scan3A_82 : i32
      %add3A_134 = arith.constant 2 : i32
      %add3A_135 = arith.addi %mul3A_133, %add3A_134 : i32
      %add3A_136 = arith.constant 2 : i32
      %add3A_137 = arith.addi %add3A_135, %add3A_136 : i32
      %lt3A_138 = arith.constant 160 : i32
      %lt3A_139 = arith.cmpi slt, %add3A_137, %lt3A_138 : i32
      %convert_element_type3A_140 = arith.extui %lt3A_139 : i1 to i32
      %cond3A_141 = arith.constant 0 : i32
      %cond3A_142 = arith.cmpi ne, %convert_element_type3A_140, %cond3A_141 : i32
      scf.if %cond3A_142 {
        %add3A_185 = arith.constant 2 : i32
        %add3A_186 = arith.addi %add3A_135, %add3A_185 : i32
        %dma_start3A_187 = arith.constant 0 : i32
        %dma_start3A_188 = tpu.memref_slice %arg3[%add3A, %add3A_186, %dma_start3A_187] : memref<32x160x64xi32, #tpu.memory_space<hbm>> -> memref<1x1x64xi32, #tpu.memory_space<hbm>>
        %dma_start3A_189 = tpu.memref_squeeze %dma_start3A_188 : memref<1x1x64xi32, #tpu.memory_space<hbm>> -> memref<64xi32, #tpu.memory_space<hbm>>
        %dma_start3A_190 = arith.constant 0 : i32
        %dma_start3A_191 = tpu.memref_slice %arg3[%add3A, %add3A_186, %dma_start3A_190] : memref<32x160x64xi32, #tpu.memory_space<hbm>> -> memref<1x1x64xi32, #tpu.memory_space<hbm>>
        %dma_start3A_192 = tpu.memref_squeeze %dma_start3A_191 : memref<1x1x64xi32, #tpu.memory_space<hbm>> -> memref<64xi32, #tpu.memory_space<hbm>>
        tpu.enqueue_dma source(%dma_start3A_192 : memref<64xi32, #tpu.memory_space<hbm>>) target(%arg7 : memref<64xi32, #tpu.memory_space<vmem>>) target_semaphore(%arg16 : memref<!tpu.dma_semaphore, #tpu.memory_space<semaphore_mem>>)
      } else {
      }
      %add3A_143 = arith.constant 1 : i32
      %add3A_144 = arith.addi %add3A_135, %add3A_143 : i32
      %lt3A_145 = arith.constant 160 : i32
      %lt3A_146 = arith.cmpi slt, %add3A_144, %lt3A_145 : i32
      %convert_element_type3A_147 = arith.extui %lt3A_146 : i1 to i32
      %cond3A_148 = arith.constant 0 : i32
      %cond3A_149 = arith.cmpi ne, %convert_element_type3A_147, %cond3A_148 : i32
      scf.if %cond3A_149 {
        %add3A_185 = arith.constant 1 : i32
        %add3A_186 = arith.addi %add3A_135, %add3A_185 : i32
        %dma_wait3A_187 = arith.constant 0 : i32
        %dma_wait3A_188 = tpu.memref_slice %arg3[%add3A, %add3A_186, %dma_wait3A_187] : memref<32x160x64xi32, #tpu.memory_space<hbm>> -> memref<1x1x64xi32, #tpu.memory_space<hbm>>
        %dma_wait3A_189 = tpu.memref_squeeze %dma_wait3A_188 : memref<1x1x64xi32, #tpu.memory_space<hbm>> -> memref<64xi32, #tpu.memory_space<hbm>>
        %dma_wait3A_190 = arith.constant 0 : i32
        %dma_wait3A_191 = tpu.memref_slice %arg3[%add3A, %add3A_186, %dma_wait3A_190] : memref<32x160x64xi32, #tpu.memory_space<hbm>> -> memref<1x1x64xi32, #tpu.memory_space<hbm>>
        %dma_wait3A_192 = tpu.memref_squeeze %dma_wait3A_191 : memref<1x1x64xi32, #tpu.memory_space<hbm>> -> memref<64xi32, #tpu.memory_space<hbm>>
        tpu.wait_dma2 semaphore(%arg16 : memref<!tpu.dma_semaphore, #tpu.memory_space<semaphore_mem>>) src(%dma_wait3A_192 : memref<64xi32, #tpu.memory_space<hbm>>) dst(%arg10 : memref<64xi32, #tpu.memory_space<vmem>>)
        %dma_start3A_193 = arith.constant 0 : i32
        %dma_start3A_194 = arith.constant 0 : i32
        %dma_start3A_195 = tpu.memref_slice %arg2[%dma_start3A_193, %dma_start3A_194] : memref<12288x128xf32, #tpu.memory_space<hbm>> -> memref<12288x128xf32, #tpu.memory_space<hbm>>
        tpu.enqueue_indirect_dma source(%dma_start3A_195 : memref<12288x128xf32, #tpu.memory_space<hbm>>) target(%arg14 : memref<64x128xf32, #tpu.memory_space<vmem>>) offsets(%arg10 : memref<64xi32, #tpu.memory_space<vmem>>) semaphore(%arg15 : memref<!tpu.dma_semaphore, #tpu.memory_space<semaphore_mem>>)
        %add3A_196 = arith.constant 1 : i32
        %add3A_197 = arith.addi %add3A_135, %add3A_196 : i32
        %dma_start3A_198 = arith.constant 0 : i32
        %dma_start3A_199 = tpu.memref_slice %arg4[%add3A, %add3A_197, %dma_start3A_198] : memref<32x160x64xi32, #tpu.memory_space<hbm>> -> memref<1x1x64xi32, #tpu.memory_space<hbm>>
        %dma_start3A_200 = tpu.memref_squeeze %dma_start3A_199 : memref<1x1x64xi32, #tpu.memory_space<hbm>> -> memref<64xi32, #tpu.memory_space<hbm>>
        %dma_start3A_201 = arith.constant 0 : i32
        %dma_start3A_202 = tpu.memref_slice %arg4[%add3A, %add3A_197, %dma_start3A_201] : memref<32x160x64xi32, #tpu.memory_space<hbm>> -> memref<1x1x64xi32, #tpu.memory_space<hbm>>
        %dma_start3A_203 = tpu.memref_squeeze %dma_start3A_202 : memref<1x1x64xi32, #tpu.memory_space<hbm>> -> memref<64xi32, #tpu.memory_space<hbm>>
        tpu.enqueue_dma source(%dma_start3A_203 : memref<64xi32, #tpu.memory_space<hbm>>) target(%arg12 : memref<64xi32, #tpu.memory_space<vmem>>) target_semaphore(%arg17 : memref<!tpu.dma_semaphore, #tpu.memory_space<semaphore_mem>>)
      } else {
      }
      %dma_wait3A_150 = arith.constant 0 : i32
      %dma_wait3A_151 = arith.constant 0 : i32
      %dma_wait3A_152 = tpu.memref_slice %arg2[%dma_wait3A_150, %dma_wait3A_151] : memref<12288x128xf32, #tpu.memory_space<hbm>> -> memref<12288x128xf32, #tpu.memory_space<hbm>>
      tpu.wait_indirect_dma semaphore(%arg15 : memref<!tpu.dma_semaphore, #tpu.memory_space<semaphore_mem>>) src(%dma_wait3A_152 : memref<12288x128xf32, #tpu.memory_space<hbm>>) dst(%arg13 : memref<64x128xf32, #tpu.memory_space<vmem>>)
      %gt3A_153 = arith.constant 0 : i32
      %gt3A_154 = arith.cmpi sgt, %add3A_135, %gt3A_153 : i32
      %convert_element_type3A_155 = arith.extui %gt3A_154 : i1 to i32
      %cond3A_156 = arith.constant 0 : i32
      %cond3A_157 = arith.cmpi ne, %convert_element_type3A_155, %cond3A_156 : i32
      scf.if %cond3A_157 {
        %dma_wait3A_185 = arith.constant 0 : i32
        %dma_wait3A_186 = tpu.memref_slice %arg4[%add3A, %add3A_135, %dma_wait3A_185] : memref<32x160x64xi32, #tpu.memory_space<hbm>> -> memref<1x1x64xi32, #tpu.memory_space<hbm>>
        %dma_wait3A_187 = tpu.memref_squeeze %dma_wait3A_186 : memref<1x1x64xi32, #tpu.memory_space<hbm>> -> memref<64xi32, #tpu.memory_space<hbm>>
        %dma_wait3A_188 = arith.constant 0 : i32
        %dma_wait3A_189 = tpu.memref_slice %arg4[%add3A, %add3A_135, %dma_wait3A_188] : memref<32x160x64xi32, #tpu.memory_space<hbm>> -> memref<1x1x64xi32, #tpu.memory_space<hbm>>
        %dma_wait3A_190 = tpu.memref_squeeze %dma_wait3A_189 : memref<1x1x64xi32, #tpu.memory_space<hbm>> -> memref<64xi32, #tpu.memory_space<hbm>>
        tpu.wait_dma2 semaphore(%arg17 : memref<!tpu.dma_semaphore, #tpu.memory_space<semaphore_mem>>) src(%dma_wait3A_190 : memref<64xi32, #tpu.memory_space<hbm>>) dst(%arg11 : memref<64xi32, #tpu.memory_space<vmem>>)
      } else {
      }
      "tpu.region"() ({
        %run_scoped3A_185 = tpu.sem_alloc : memref<!tpu.dma_semaphore, #tpu.memory_space<semaphore_mem>>
        %dma_start3A_186 = arith.constant 0 : i32
        %dma_start3A_187 = arith.constant 0 : i32
        %dma_start3A_188 = tpu.memref_slice %arg6[%dma_start3A_186, %dma_start3A_187] : memref<10240x128xf32, #tpu.memory_space<vmem_shared>> -> memref<10240x128xf32, #tpu.memory_space<vmem_shared>>
        tpu.enqueue_indirect_dma source(%arg13 : memref<64x128xf32, #tpu.memory_space<vmem>>) target(%dma_start3A_188 : memref<10240x128xf32, #tpu.memory_space<vmem_shared>>) offsets(%arg11 : memref<64xi32, #tpu.memory_space<vmem>>) semaphore(%run_scoped3A_185 : memref<!tpu.dma_semaphore, #tpu.memory_space<semaphore_mem>>) {add = true}
        %dma_wait3A_189 = arith.constant 0 : i32
        %dma_wait3A_190 = arith.constant 0 : i32
        %dma_wait3A_191 = tpu.memref_slice %arg6[%dma_wait3A_189, %dma_wait3A_190] : memref<10240x128xf32, #tpu.memory_space<vmem_shared>> -> memref<10240x128xf32, #tpu.memory_space<vmem_shared>>
        tpu.wait_indirect_dma semaphore(%run_scoped3A_185 : memref<!tpu.dma_semaphore, #tpu.memory_space<semaphore_mem>>) src(%arg13 : memref<64x128xf32, #tpu.memory_space<vmem>>) dst(%dma_wait3A_191 : memref<10240x128xf32, #tpu.memory_space<vmem_shared>>)
        tpu.yield
      }) : () -> ()
      %mul3A_158 = arith.constant 4 : i32
      %mul3A_159 = arith.muli %mul3A_158, %scan3A_82 : i32
      %add3A_160 = arith.constant 3 : i32
      %add3A_161 = arith.addi %mul3A_159, %add3A_160 : i32
      %add3A_162 = arith.constant 2 : i32
      %add3A_163 = arith.addi %add3A_161, %add3A_162 : i32
      %lt3A_164 = arith.constant 160 : i32
      %lt3A_165 = arith.cmpi slt, %add3A_163, %lt3A_164 : i32
      %convert_element_type3A_166 = arith.extui %lt3A_165 : i1 to i32
      %cond3A_167 = arith.constant 0 : i32
      %cond3A_168 = arith.cmpi ne, %convert_element_type3A_166, %cond3A_167 : i32
      scf.if %cond3A_168 {
        %add3A_185 = arith.constant 2 : i32
        %add3A_186 = arith.addi %add3A_161, %add3A_185 : i32
        %dma_start3A_187 = arith.constant 0 : i32
        %dma_start3A_188 = tpu.memref_slice %arg3[%add3A, %add3A_186, %dma_start3A_187] : memref<32x160x64xi32, #tpu.memory_space<hbm>> -> memref<1x1x64xi32, #tpu.memory_space<hbm>>
        %dma_start3A_189 = tpu.memref_squeeze %dma_start3A_188 : memref<1x1x64xi32, #tpu.memory_space<hbm>> -> memref<64xi32, #tpu.memory_space<hbm>>
        %dma_start3A_190 = arith.constant 0 : i32
        %dma_start3A_191 = tpu.memref_slice %arg3[%add3A, %add3A_186, %dma_start3A_190] : memref<32x160x64xi32, #tpu.memory_space<hbm>> -> memref<1x1x64xi32, #tpu.memory_space<hbm>>
        %dma_start3A_192 = tpu.memref_squeeze %dma_start3A_191 : memref<1x1x64xi32, #tpu.memory_space<hbm>> -> memref<64xi32, #tpu.memory_space<hbm>>
        tpu.enqueue_dma source(%dma_start3A_192 : memref<64xi32, #tpu.memory_space<hbm>>) target(%arg8 : memref<64xi32, #tpu.memory_space<vmem>>) target_semaphore(%arg16 : memref<!tpu.dma_semaphore, #tpu.memory_space<semaphore_mem>>)
      } else {
      }
      %add3A_169 = arith.constant 1 : i32
      %add3A_170 = arith.addi %add3A_161, %add3A_169 : i32
      %lt3A_171 = arith.constant 160 : i32
      %lt3A_172 = arith.cmpi slt, %add3A_170, %lt3A_171 : i32
      %convert_element_type3A_173 = arith.extui %lt3A_172 : i1 to i32
      %cond3A_174 = arith.constant 0 : i32
      %cond3A_175 = arith.cmpi ne, %convert_element_type3A_173, %cond3A_174 : i32
      scf.if %cond3A_175 {
        %add3A_185 = arith.constant 1 : i32
        %add3A_186 = arith.addi %add3A_161, %add3A_185 : i32
        %dma_wait3A_187 = arith.constant 0 : i32
        %dma_wait3A_188 = tpu.memref_slice %arg3[%add3A, %add3A_186, %dma_wait3A_187] : memref<32x160x64xi32, #tpu.memory_space<hbm>> -> memref<1x1x64xi32, #tpu.memory_space<hbm>>
        %dma_wait3A_189 = tpu.memref_squeeze %dma_wait3A_188 : memref<1x1x64xi32, #tpu.memory_space<hbm>> -> memref<64xi32, #tpu.memory_space<hbm>>
        %dma_wait3A_190 = arith.constant 0 : i32
        %dma_wait3A_191 = tpu.memref_slice %arg3[%add3A, %add3A_186, %dma_wait3A_190] : memref<32x160x64xi32, #tpu.memory_space<hbm>> -> memref<1x1x64xi32, #tpu.memory_space<hbm>>
        %dma_wait3A_192 = tpu.memref_squeeze %dma_wait3A_191 : memref<1x1x64xi32, #tpu.memory_space<hbm>> -> memref<64xi32, #tpu.memory_space<hbm>>
        tpu.wait_dma2 semaphore(%arg16 : memref<!tpu.dma_semaphore, #tpu.memory_space<semaphore_mem>>) src(%dma_wait3A_192 : memref<64xi32, #tpu.memory_space<hbm>>) dst(%arg7 : memref<64xi32, #tpu.memory_space<vmem>>)
        %dma_start3A_193 = arith.constant 0 : i32
        %dma_start3A_194 = arith.constant 0 : i32
        %dma_start3A_195 = tpu.memref_slice %arg2[%dma_start3A_193, %dma_start3A_194] : memref<12288x128xf32, #tpu.memory_space<hbm>> -> memref<12288x128xf32, #tpu.memory_space<hbm>>
        tpu.enqueue_indirect_dma source(%dma_start3A_195 : memref<12288x128xf32, #tpu.memory_space<hbm>>) target(%arg13 : memref<64x128xf32, #tpu.memory_space<vmem>>) offsets(%arg7 : memref<64xi32, #tpu.memory_space<vmem>>) semaphore(%arg15 : memref<!tpu.dma_semaphore, #tpu.memory_space<semaphore_mem>>)
        %add3A_196 = arith.constant 1 : i32
        %add3A_197 = arith.addi %add3A_161, %add3A_196 : i32
        %dma_start3A_198 = arith.constant 0 : i32
        %dma_start3A_199 = tpu.memref_slice %arg4[%add3A, %add3A_197, %dma_start3A_198] : memref<32x160x64xi32, #tpu.memory_space<hbm>> -> memref<1x1x64xi32, #tpu.memory_space<hbm>>
        %dma_start3A_200 = tpu.memref_squeeze %dma_start3A_199 : memref<1x1x64xi32, #tpu.memory_space<hbm>> -> memref<64xi32, #tpu.memory_space<hbm>>
        %dma_start3A_201 = arith.constant 0 : i32
        %dma_start3A_202 = tpu.memref_slice %arg4[%add3A, %add3A_197, %dma_start3A_201] : memref<32x160x64xi32, #tpu.memory_space<hbm>> -> memref<1x1x64xi32, #tpu.memory_space<hbm>>
        %dma_start3A_203 = tpu.memref_squeeze %dma_start3A_202 : memref<1x1x64xi32, #tpu.memory_space<hbm>> -> memref<64xi32, #tpu.memory_space<hbm>>
        tpu.enqueue_dma source(%dma_start3A_203 : memref<64xi32, #tpu.memory_space<hbm>>) target(%arg11 : memref<64xi32, #tpu.memory_space<vmem>>) target_semaphore(%arg17 : memref<!tpu.dma_semaphore, #tpu.memory_space<semaphore_mem>>)
      } else {
      }
      %dma_wait3A_176 = arith.constant 0 : i32
      %dma_wait3A_177 = arith.constant 0 : i32
      %dma_wait3A_178 = tpu.memref_slice %arg2[%dma_wait3A_176, %dma_wait3A_177] : memref<12288x128xf32, #tpu.memory_space<hbm>> -> memref<12288x128xf32, #tpu.memory_space<hbm>>
      tpu.wait_indirect_dma semaphore(%arg15 : memref<!tpu.dma_semaphore, #tpu.memory_space<semaphore_mem>>) src(%dma_wait3A_178 : memref<12288x128xf32, #tpu.memory_space<hbm>>) dst(%arg14 : memref<64x128xf32, #tpu.memory_space<vmem>>)
      %gt3A_179 = arith.constant 0 : i32
      %gt3A_180 = arith.cmpi sgt, %add3A_161, %gt3A_179 : i32
      %convert_element_type3A_181 = arith.extui %gt3A_180 : i1 to i32
      %cond3A_182 = arith.constant 0 : i32
      %cond3A_183 = arith.cmpi ne, %convert_element_type3A_181, %cond3A_182 : i32
      scf.if %cond3A_183 {
        %dma_wait3A_185 = arith.constant 0 : i32
        %dma_wait3A_186 = tpu.memref_slice %arg4[%add3A, %add3A_161, %dma_wait3A_185] : memref<32x160x64xi32, #tpu.memory_space<hbm>> -> memref<1x1x64xi32, #tpu.memory_space<hbm>>
        %dma_wait3A_187 = tpu.memref_squeeze %dma_wait3A_186 : memref<1x1x64xi32, #tpu.memory_space<hbm>> -> memref<64xi32, #tpu.memory_space<hbm>>
        %dma_wait3A_188 = arith.constant 0 : i32
        %dma_wait3A_189 = tpu.memref_slice %arg4[%add3A, %add3A_161, %dma_wait3A_188] : memref<32x160x64xi32, #tpu.memory_space<hbm>> -> memref<1x1x64xi32, #tpu.memory_space<hbm>>
        %dma_wait3A_190 = tpu.memref_squeeze %dma_wait3A_189 : memref<1x1x64xi32, #tpu.memory_space<hbm>> -> memref<64xi32, #tpu.memory_space<hbm>>
        tpu.wait_dma2 semaphore(%arg17 : memref<!tpu.dma_semaphore, #tpu.memory_space<semaphore_mem>>) src(%dma_wait3A_190 : memref<64xi32, #tpu.memory_space<hbm>>) dst(%arg12 : memref<64xi32, #tpu.memory_space<vmem>>)
      } else {
      }
      "tpu.region"() ({
        %run_scoped3A_185 = tpu.sem_alloc : memref<!tpu.dma_semaphore, #tpu.memory_space<semaphore_mem>>
        %dma_start3A_186 = arith.constant 0 : i32
        %dma_start3A_187 = arith.constant 0 : i32
        %dma_start3A_188 = tpu.memref_slice %arg6[%dma_start3A_186, %dma_start3A_187] : memref<10240x128xf32, #tpu.memory_space<vmem_shared>> -> memref<10240x128xf32, #tpu.memory_space<vmem_shared>>
        tpu.enqueue_indirect_dma source(%arg14 : memref<64x128xf32, #tpu.memory_space<vmem>>) target(%dma_start3A_188 : memref<10240x128xf32, #tpu.memory_space<vmem_shared>>) offsets(%arg12 : memref<64xi32, #tpu.memory_space<vmem>>) semaphore(%run_scoped3A_185 : memref<!tpu.dma_semaphore, #tpu.memory_space<semaphore_mem>>) {add = true}
        %dma_wait3A_189 = arith.constant 0 : i32
        %dma_wait3A_190 = arith.constant 0 : i32
        %dma_wait3A_191 = tpu.memref_slice %arg6[%dma_wait3A_189, %dma_wait3A_190] : memref<10240x128xf32, #tpu.memory_space<vmem_shared>> -> memref<10240x128xf32, #tpu.memory_space<vmem_shared>>
        tpu.wait_indirect_dma semaphore(%run_scoped3A_185 : memref<!tpu.dma_semaphore, #tpu.memory_space<semaphore_mem>>) src(%arg14 : memref<64x128xf32, #tpu.memory_space<vmem>>) dst(%dma_wait3A_191 : memref<10240x128xf32, #tpu.memory_space<vmem_shared>>)
        tpu.yield
      }) : () -> ()
      %scan3A_184 = arith.constant 0 : i32
      scf.yield %scan3A_184 : i32
    }
    %scan3A_76 = arith.constant 40 : i32
    %barrier3A_77 = arith.constant 0 : index
    tpu.barrier barrier_id(%barrier3A_77)
    %mul3A_78 = arith.constant 640 : i32
    %mul3A_79 = arith.muli %arg1, %mul3A_78 : i32
    %mul3A_80 = arith.constant 640 : i32
    %mul3A_81 = arith.muli %arg1, %mul3A_80 : i32
    "tpu.region"() ({
      %run_scoped3A_82 = tpu.sem_alloc : memref<!tpu.dma_semaphore, #tpu.memory_space<semaphore_mem>>
      %dma_start3A_83 = arith.constant 0 : i32
      %dma_start3A_84 = tpu.memref_slice %arg5[%arg0, %mul3A_81, %dma_start3A_83] : memref<2x10240x128xf32, #tpu.memory_space<hbm>> -> memref<1x640x128xf32, #tpu.memory_space<hbm>>
      %dma_start3A_85 = tpu.memref_squeeze %dma_start3A_84 : memref<1x640x128xf32, #tpu.memory_space<hbm>> -> memref<640x128xf32, #tpu.memory_space<hbm>>
      %dma_start3A_86 = arith.constant 0 : i32
      %dma_start3A_87 = tpu.memref_slice %arg6[%mul3A_79, %dma_start3A_86] : memref<10240x128xf32, #tpu.memory_space<vmem_shared>> -> memref<640x128xf32, #tpu.memory_space<vmem_shared>>
      tpu.enqueue_dma source(%dma_start3A_87 : memref<640x128xf32, #tpu.memory_space<vmem_shared>>) target(%dma_start3A_85 : memref<640x128xf32, #tpu.memory_space<hbm>>) target_semaphore(%run_scoped3A_82 : memref<!tpu.dma_semaphore, #tpu.memory_space<semaphore_mem>>)
      %dma_wait3A_88 = arith.constant 0 : i32
      %dma_wait3A_89 = tpu.memref_slice %arg5[%arg0, %mul3A_81, %dma_wait3A_88] : memref<2x10240x128xf32, #tpu.memory_space<hbm>> -> memref<1x640x128xf32, #tpu.memory_space<hbm>>
      %dma_wait3A_90 = tpu.memref_squeeze %dma_wait3A_89 : memref<1x640x128xf32, #tpu.memory_space<hbm>> -> memref<640x128xf32, #tpu.memory_space<hbm>>
      %dma_wait3A_91 = arith.constant 0 : i32
      %dma_wait3A_92 = tpu.memref_slice %arg6[%mul3A_79, %dma_wait3A_91] : memref<10240x128xf32, #tpu.memory_space<vmem_shared>> -> memref<640x128xf32, #tpu.memory_space<vmem_shared>>
      tpu.wait_dma2 semaphore(%run_scoped3A_82 : memref<!tpu.dma_semaphore, #tpu.memory_space<semaphore_mem>>) src(%dma_wait3A_92 : memref<640x128xf32, #tpu.memory_space<vmem_shared>>) dst(%dma_wait3A_90 : memref<640x128xf32, #tpu.memory_space<hbm>>)
      tpu.yield
    }) : () -> ()
    return
  }
}

module attributes {stable_mosaic.version = 14 : i64} {
  func.func @_scale_body(%arg0: i32, %arg1: memref<2048x2xf32, #tpu.memory_space<vmem>>, %arg2: memref<2048x128xf32, #tpu.memory_space<vmem>>, %arg3: memref<2048x128xf32, #tpu.memory_space<vmem>>) attributes {dimension_semantics = [#tpu.dimension_semantics<arbitrary>], iteration_bounds = array<i64: 6>, scalar_prefetch = 0 : i64, scratch_operands = 0 : i64, tpu.core_type = #tpu.core_type<tc>, window_params = [{transform_indices = @transform_0, window_bounds = array<i64: 2048, 2>}, {transform_indices = @transform_1, window_bounds = array<i64: 2048, 128>}, {transform_indices = @transform_2, window_bounds = array<i64: 2048, 128>}]} {
    %get3A = arith.constant 0 : index
    %get3A_0 = arith.constant 0 : index
    %get3A_1 = vector.load %arg1[%get3A, %get3A_0] : memref<2048x2xf32, #tpu.memory_space<vmem>>, vector<2048x1xf32>
    %add3A = arith.constant 1.000000e+00 : f32
    %add3A_2 = vector.broadcast %add3A : f32 to vector<2048x1xf32>
    %add3A_3 = arith.addf %add3A_2, %get3A_1 : vector<2048x1xf32>
    %get3A_4 = arith.constant 0 : index
    %get3A_5 = arith.constant 1 : index
    %get3A_6 = vector.load %arg1[%get3A_4, %get3A_5] : memref<2048x2xf32, #tpu.memory_space<vmem>>, vector<2048x1xf32>
    %add3A_7 = arith.addf %add3A_3, %get3A_6 : vector<2048x1xf32>
    %max3A = arith.constant 9.99999996E-13 : f32
    %max3A_8 = vector.broadcast %max3A : f32 to vector<2048x1xf32>
    %max3A_9 = arith.maximumf %add3A_7, %max3A_8 : vector<2048x1xf32>
    %rsqrt3A = math.rsqrt %max3A_9 : vector<2048x1xf32>
    %get3A_10 = arith.constant 0 : index
    %get3A_11 = arith.constant 0 : index
    %get3A_12 = vector.load %arg2[%get3A_10, %get3A_11] : memref<2048x128xf32, #tpu.memory_space<vmem>>, vector<2048x128xf32>
    %mul3A = vector.broadcast %rsqrt3A : vector<2048x1xf32> to vector<2048x128xf32>
    %mul3A_13 = arith.mulf %mul3A, %get3A_12 : vector<2048x128xf32>
    %swap3A = arith.constant 0 : index
    %swap3A_14 = arith.constant 0 : index
    %swap3A_15 = vector.load %arg3[%swap3A, %swap3A_14] : memref<2048x128xf32, #tpu.memory_space<vmem>>, vector<2048x128xf32>
    tpu.vector_store %arg3[%swap3A, %swap3A_14], %mul3A_13 {strides = array<i32>} : memref<2048x128xf32, #tpu.memory_space<vmem>>, vector<2048x128xf32>,
    return
  }
  func.func @transform_0(%arg0: i32) -> (i32, i32) {
    %c0_i32 = arith.constant 0 : i32
    %c0_i32_0 = arith.constant 0 : i32
    return %arg0, %c0_i32 : i32, i32
  }
  func.func @transform_1(%arg0: i32) -> (i32, i32) {
    %c0_i32 = arith.constant 0 : i32
    %c0_i32_0 = arith.constant 0 : i32
    return %arg0, %c0_i32 : i32, i32
  }
  func.func @transform_2(%arg0: i32) -> (i32, i32) {
    %c0_i32 = arith.constant 0 : i32
    %c0_i32_0 = arith.constant 0 : i32
    return %arg0, %c0_i32 : i32, i32
  }
}

module attributes {stable_mosaic.version = 14 : i64} {
  func.func @_head_body(%arg0: i32, %arg1: memref<2048x2xf32, #tpu.memory_space<vmem>>, %arg2: memref<2x2048x128xf32, #tpu.memory_space<vmem>>, %arg3: memref<2048x128xf32, #tpu.memory_space<vmem>>, %arg4: memref<2048x128xf32, #tpu.memory_space<vmem>>, %arg5: memref<128x128xf32, #tpu.memory_space<vmem>>, %arg6: memref<1x128xf32, #tpu.memory_space<vmem>>, %arg7: memref<128x32xf32, #tpu.memory_space<vmem>>, %arg8: memref<1x32xf32, #tpu.memory_space<vmem>>, %arg9: memref<32x32xf32, #tpu.memory_space<vmem>>, %arg10: memref<1x32xf32, #tpu.memory_space<vmem>>, %arg11: memref<32x4xf32, #tpu.memory_space<vmem>>, %arg12: memref<1x4xf32, #tpu.memory_space<vmem>>, %arg13: memref<2048x4xf32, #tpu.memory_space<vmem>>) attributes {dimension_semantics = [#tpu.dimension_semantics<arbitrary>], iteration_bounds = array<i64: 5>, scalar_prefetch = 0 : i64, scratch_operands = 0 : i64, tpu.core_type = #tpu.core_type<tc>, window_params = [{transform_indices = @transform_0, window_bounds = array<i64: 2048, 2>}, {transform_indices = @transform_1, window_bounds = array<i64: 2, 2048, 128>}, {transform_indices = @transform_2, window_bounds = array<i64: 2048, 128>}, {transform_indices = @transform_3, window_bounds = array<i64: 2048, 128>}, {pipeline_mode = #tpu.pipeline_mode<synchronous>, transform_indices = @transform_4, window_bounds = array<i64: 128, 128>}, {pipeline_mode = #tpu.pipeline_mode<synchronous>, transform_indices = @transform_5, window_bounds = array<i64: 1, 128>}, {pipeline_mode = #tpu.pipeline_mode<synchronous>, transform_indices = @transform_6, window_bounds = array<i64: 128, 32>}, {pipeline_mode = #tpu.pipeline_mode<synchronous>, transform_indices = @transform_7, window_bounds = array<i64: 1, 32>}, {pipeline_mode = #tpu.pipeline_mode<synchronous>, transform_indices = @transform_8, window_bounds = array<i64: 32, 32>}, {pipeline_mode = #tpu.pipeline_mode<synchronous>, transform_indices = @transform_9, window_bounds = array<i64: 1, 32>}, {pipeline_mode = #tpu.pipeline_mode<synchronous>, transform_indices = @transform_10, window_bounds = array<i64: 32, 4>}, {pipeline_mode = #tpu.pipeline_mode<synchronous>, transform_indices = @transform_11, window_bounds = array<i64: 1, 4>}, {transform_indices = @transform_12, window_bounds = array<i64: 2048, 4>}]} {
    %get3A = arith.constant 0 : index
    %get3A_0 = arith.constant 0 : index
    %get3A_1 = vector.load %arg1[%get3A, %get3A_0] : memref<2048x2xf32, #tpu.memory_space<vmem>>, vector<2048x1xf32>
    %add3A = arith.constant 1.000000e+00 : f32
    %add3A_2 = vector.broadcast %add3A : f32 to vector<2048x1xf32>
    %add3A_3 = arith.addf %add3A_2, %get3A_1 : vector<2048x1xf32>
    %get3A_4 = arith.constant 0 : index
    %get3A_5 = arith.constant 1 : index
    %get3A_6 = vector.load %arg1[%get3A_4, %get3A_5] : memref<2048x2xf32, #tpu.memory_space<vmem>>, vector<2048x1xf32>
    %add3A_7 = arith.addf %add3A_3, %get3A_6 : vector<2048x1xf32>
    %max3A = arith.constant 9.99999996E-13 : f32
    %max3A_8 = vector.broadcast %max3A : f32 to vector<2048x1xf32>
    %max3A_9 = arith.maximumf %add3A_7, %max3A_8 : vector<2048x1xf32>
    %rsqrt3A = math.rsqrt %max3A_9 : vector<2048x1xf32>
    %get3A_10 = arith.constant 0 : index
    %get3A_11 = arith.constant 0 : index
    %get3A_12 = arith.constant 0 : index
    %get3A_13 = vector.load %arg2[%get3A_10, %get3A_11, %get3A_12] : memref<2x2048x128xf32, #tpu.memory_space<vmem>>, vector<1x2048x128xf32>
    %get3A_14 = vector.shape_cast %get3A_13 : vector<1x2048x128xf32> to vector<2048x128xf32>
    %get3A_15 = arith.constant 1 : index
    %get3A_16 = arith.constant 0 : index
    %get3A_17 = arith.constant 0 : index
    %get3A_18 = vector.load %arg2[%get3A_15, %get3A_16, %get3A_17] : memref<2x2048x128xf32, #tpu.memory_space<vmem>>, vector<1x2048x128xf32>
    %get3A_19 = vector.shape_cast %get3A_18 : vector<1x2048x128xf32> to vector<2048x128xf32>
    %add3A_20 = arith.addf %get3A_14, %get3A_19 : vector<2048x128xf32>
    %get3A_21 = arith.constant 0 : index
    %get3A_22 = arith.constant 0 : index
    %get3A_23 = vector.load %arg3[%get3A_21, %get3A_22] : memref<2048x128xf32, #tpu.memory_space<vmem>>, vector<2048x128xf32>
    %add3A_24 = arith.addf %add3A_20, %get3A_23 : vector<2048x128xf32>
    %mul3A = vector.broadcast %rsqrt3A : vector<2048x1xf32> to vector<2048x128xf32>
    %mul3A_25 = arith.mulf %mul3A, %add3A_24 : vector<2048x128xf32>
    %get3A_26 = arith.constant 0 : index
    %get3A_27 = arith.constant 0 : index
    %get3A_28 = vector.load %arg5[%get3A_26, %get3A_27] : memref<128x128xf32, #tpu.memory_space<vmem>>, vector<128x128xf32>
    %dot_general3A = arith.constant dense<0.000000e+00> : vector<2048x128xf32>
    %dot_general3A_29 = tpu.matmul %mul3A_25, %get3A_28, %dot_general3A {dimension_numbers = #tpu.dot_dimension_numbers<[1], [0], [0], [1], [0, 0, 1, 1], [], []>, transpose_lhs_hint = false} : vector<2048x128xf32>, vector<128x128xf32>, vector<2048x128xf32> -> vector<2048x128xf32>
    %get3A_30 = arith.constant 0 : index
    %get3A_31 = arith.constant 0 : index
    %get3A_32 = vector.load %arg6[%get3A_30, %get3A_31] : memref<1x128xf32, #tpu.memory_space<vmem>>, vector<1x128xf32>
    %add3A_33 = vector.broadcast %get3A_32 : vector<1x128xf32> to vector<2048x128xf32>
    %add3A_34 = arith.addf %dot_general3A_29, %add3A_33 : vector<2048x128xf32>
    %max3A_35 = arith.constant 0.000000e+00 : f32
    %max3A_36 = vector.broadcast %max3A_35 : f32 to vector<2048x128xf32>
    %max3A_37 = arith.maximumf %add3A_34, %max3A_36 : vector<2048x128xf32>
    %get3A_38 = arith.constant 0 : index
    %get3A_39 = arith.constant 0 : index
    %get3A_40 = vector.load %arg4[%get3A_38, %get3A_39] : memref<2048x128xf32, #tpu.memory_space<vmem>>, vector<2048x128xf32>
    %add3A_41 = arith.addf %max3A_37, %get3A_40 : vector<2048x128xf32>
    %get3A_42 = arith.constant 0 : index
    %get3A_43 = arith.constant 0 : index
    %get3A_44 = vector.load %arg7[%get3A_42, %get3A_43] : memref<128x32xf32, #tpu.memory_space<vmem>>, vector<128x32xf32>
    %dot_general3A_45 = arith.constant dense<0.000000e+00> : vector<2048x32xf32>
    %dot_general3A_46 = tpu.matmul %add3A_41, %get3A_44, %dot_general3A_45 {dimension_numbers = #tpu.dot_dimension_numbers<[1], [0], [0], [1], [0, 0, 1, 1], [], []>, transpose_lhs_hint = false} : vector<2048x128xf32>, vector<128x32xf32>, vector<2048x32xf32> -> vector<2048x32xf32>
    %get3A_47 = arith.constant 0 : index
    %get3A_48 = arith.constant 0 : index
    %get3A_49 = vector.load %arg8[%get3A_47, %get3A_48] : memref<1x32xf32, #tpu.memory_space<vmem>>, vector<1x32xf32>
    %add3A_50 = vector.broadcast %get3A_49 : vector<1x32xf32> to vector<2048x32xf32>
    %add3A_51 = arith.addf %dot_general3A_46, %add3A_50 : vector<2048x32xf32>
    %max3A_52 = arith.constant 0.000000e+00 : f32
    %max3A_53 = vector.broadcast %max3A_52 : f32 to vector<2048x32xf32>
    %max3A_54 = arith.maximumf %add3A_51, %max3A_53 : vector<2048x32xf32>
    %get3A_55 = arith.constant 0 : index
    %get3A_56 = arith.constant 0 : index
    %get3A_57 = vector.load %arg9[%get3A_55, %get3A_56] : memref<32x32xf32, #tpu.memory_space<vmem>>, vector<32x32xf32>
    %dot_general3A_58 = arith.constant dense<0.000000e+00> : vector<2048x32xf32>
    %dot_general3A_59 = tpu.matmul %max3A_54, %get3A_57, %dot_general3A_58 {dimension_numbers = #tpu.dot_dimension_numbers<[1], [0], [0], [1], [0, 0, 1, 1], [], []>, transpose_lhs_hint = false} : vector<2048x32xf32>, vector<32x32xf32>, vector<2048x32xf32> -> vector<2048x32xf32>
    %get3A_60 = arith.constant 0 : index
    %get3A_61 = arith.constant 0 : index
    %get3A_62 = vector.load %arg10[%get3A_60, %get3A_61] : memref<1x32xf32, #tpu.memory_space<vmem>>, vector<1x32xf32>
    %add3A_63 = vector.broadcast %get3A_62 : vector<1x32xf32> to vector<2048x32xf32>
    %add3A_64 = arith.addf %dot_general3A_59, %add3A_63 : vector<2048x32xf32>
    %max3A_65 = arith.constant 0.000000e+00 : f32
    %max3A_66 = vector.broadcast %max3A_65 : f32 to vector<2048x32xf32>
    %max3A_67 = arith.maximumf %add3A_64, %max3A_66 : vector<2048x32xf32>
    %get3A_68 = arith.constant 0 : index
    %get3A_69 = arith.constant 0 : index
    %get3A_70 = vector.load %arg11[%get3A_68, %get3A_69] : memref<32x4xf32, #tpu.memory_space<vmem>>, vector<32x4xf32>
    %dot_general3A_71 = arith.constant dense<0.000000e+00> : vector<2048x4xf32>
    %dot_general3A_72 = tpu.matmul %max3A_67, %get3A_70, %dot_general3A_71 {dimension_numbers = #tpu.dot_dimension_numbers<[1], [0], [0], [1], [0, 0, 1, 1], [], []>, transpose_lhs_hint = false} : vector<2048x32xf32>, vector<32x4xf32>, vector<2048x4xf32> -> vector<2048x4xf32>
    %get3A_73 = arith.constant 0 : index
    %get3A_74 = arith.constant 0 : index
    %get3A_75 = vector.load %arg12[%get3A_73, %get3A_74] : memref<1x4xf32, #tpu.memory_space<vmem>>, vector<1x4xf32>
    %add3A_76 = vector.broadcast %get3A_75 : vector<1x4xf32> to vector<2048x4xf32>
    %add3A_77 = arith.addf %dot_general3A_72, %add3A_76 : vector<2048x4xf32>
    %swap3A = arith.constant 0 : index
    %swap3A_78 = arith.constant 0 : index
    %swap3A_79 = vector.load %arg13[%swap3A, %swap3A_78] : memref<2048x4xf32, #tpu.memory_space<vmem>>, vector<2048x4xf32>
    tpu.vector_store %arg13[%swap3A, %swap3A_78], %add3A_77 {strides = array<i32>} : memref<2048x4xf32, #tpu.memory_space<vmem>>, vector<2048x4xf32>,
    return
  }
  func.func @transform_0(%arg0: i32) -> (i32, i32) {
    %c0_i32 = arith.constant 0 : i32
    %c0_i32_0 = arith.constant 0 : i32
    return %arg0, %c0_i32 : i32, i32
  }
  func.func @transform_1(%arg0: i32) -> (i32, i32, i32) {
    %c0_i32 = arith.constant 0 : i32
    %c0_i32_0 = arith.constant 0 : i32
    %c0_i32_1 = arith.constant 0 : i32
    return %c0_i32, %arg0, %c0_i32_0 : i32, i32, i32
  }
  func.func @transform_2(%arg0: i32) -> (i32, i32) {
    %c0_i32 = arith.constant 0 : i32
    %c0_i32_0 = arith.constant 0 : i32
    return %arg0, %c0_i32 : i32, i32
  }
  func.func @transform_3(%arg0: i32) -> (i32, i32) {
    %c0_i32 = arith.constant 0 : i32
    %c0_i32_0 = arith.constant 0 : i32
    return %arg0, %c0_i32 : i32, i32
  }
  func.func @transform_4(%arg0: i32) -> (i32, i32) {
    %c0_i32 = arith.constant 0 : i32
    %c0_i32_0 = arith.constant 0 : i32
    %c0_i32_1 = arith.constant 0 : i32
    return %c0_i32, %c0_i32_0 : i32, i32
  }
  func.func @transform_5(%arg0: i32) -> (i32, i32) {
    %c0_i32 = arith.constant 0 : i32
    %c0_i32_0 = arith.constant 0 : i32
    %c0_i32_1 = arith.constant 0 : i32
    return %c0_i32, %c0_i32_0 : i32, i32
  }
  func.func @transform_6(%arg0: i32) -> (i32, i32) {
    %c0_i32 = arith.constant 0 : i32
    %c0_i32_0 = arith.constant 0 : i32
    %c0_i32_1 = arith.constant 0 : i32
    return %c0_i32, %c0_i32_0 : i32, i32
  }
  func.func @transform_7(%arg0: i32) -> (i32, i32) {
    %c0_i32 = arith.constant 0 : i32
    %c0_i32_0 = arith.constant 0 : i32
    %c0_i32_1 = arith.constant 0 : i32
    return %c0_i32, %c0_i32_0 : i32, i32
  }
  func.func @transform_8(%arg0: i32) -> (i32, i32) {
    %c0_i32 = arith.constant 0 : i32
    %c0_i32_0 = arith.constant 0 : i32
    %c0_i32_1 = arith.constant 0 : i32
    return %c0_i32, %c0_i32_0 : i32, i32
  }
  func.func @transform_9(%arg0: i32) -> (i32, i32) {
    %c0_i32 = arith.constant 0 : i32
    %c0_i32_0 = arith.constant 0 : i32
    %c0_i32_1 = arith.constant 0 : i32
    return %c0_i32, %c0_i32_0 : i32, i32
  }
  func.func @transform_10(%arg0: i32) -> (i32, i32) {
    %c0_i32 = arith.constant 0 : i32
    %c0_i32_0 = arith.constant 0 : i32
    %c0_i32_1 = arith.constant 0 : i32
    return %c0_i32, %c0_i32_0 : i32, i32
  }
  func.func @transform_11(%arg0: i32) -> (i32, i32) {
    %c0_i32 = arith.constant 0 : i32
    %c0_i32_0 = arith.constant 0 : i32
    %c0_i32_1 = arith.constant 0 : i32
    return %c0_i32, %c0_i32_0 : i32, i32
  }
  func.func @transform_12(%arg0: i32) -> (i32, i32) {
    %c0_i32 = arith.constant 0 : i32
    %c0_i32_0 = arith.constant 0 : i32
    return %arg0, %c0_i32 : i32, i32
  }
}

</mosaic_0001>

<sc_bundles>
// kernel: kernel.6.cloned.1.call-start
scs
__scs_entry_jumppad:
0x0: {  	(pc) =	sbr.rel $0x88, $3  }
0x1: {  	(tag) =	ssettag $0x0;
	lr =	simm.s32 $0x1  }
0x2: {  	[smem:$0x3F97] =	sst lr;
	_ =	strace $0xD0000000  }
0x3: {  	_ = 	snop  }
0x4: {  	_ = 	snop  }
0x5: {  	_ = 	snop  }
0x6: {  	_ = 	snop  }
0x7: {  	_ = 	snop  }
__scs_overlays_trampoline_lowered:
0x8: {  	[smem:$0x3FA6] =	sst s0  }
0x9: {  	[smem:$0x3FA7] =	sst s1  }
0xa: {  	[smem:$0x3FA8] =	sst s2  }
0xb: {  	[smem:$0x3FA9] =	sst s3  }
0xc: {  	[smem:$0x3FAA] =	sst s4  }
0xd: {  	[smem:$0x3FAB] =	sst s5  }
0xe: {  	[smem:$0x3FAC] =	sst s6  }
0xf: {  	[smem:$0x3FAD] =	sst s7  }
0x10: {  	[smem:$0x3FAE] =	sst s8  }
0x11: {  	[smem:$0x3FAF] =	sst s9;
	s0 =	simm.s32 @!p0 $0x0  }
0x12: {  	s1 =	sld [smem:$0x3F95];
	s0 =	simm.s32 @p0 $0x1  }
0x13: {  	[smem:$0x3FB0] =	sst s0;
	s0 =	simm.s32 @!p1 $0x0  }
0x14: {  	s2 =	sld [smem:$0x3F94];
	s0 =	simm.s32 @p1 $0x1  }
0x15: {  	[smem:$0x3FB1] =	sst s0;
	s0 =	simm.s32 @!p2 $0x0  }
0x16: {  	s3 =	sld [smem:$0x3FDB];
	s0 =	simm.s32 @p2 $0x1  }
0x17: {  	s4 =	simm.s32 $0x1BF5;
	[smem:$0x3FB3] =	sst s0  }
0x18: {  	s0 =	sld [smem:$0x3F96];
	_ =	swait.ge [sflag:s4], $0x0  }
0x19: {  	s7 =	sld [smem:$0x3F97]  }
0x1a: {  	s8 =	sadd.s32 $0xFFFFE003, lr  }
0x1b: {  	s9 =	sadd.s32 $0xFFFFFEF7, lr;
	s5 =	simm.s32 $0xFFFFFFFF;
	p2 =	slt.u32 s8, $0xFFFFF086  }
0x1c: {  	p1 =	slt.u32 s9, $0xF7A;
	s5 =	simm.s32 @!p2 $0x0  }
0x1d: {  	s5 =	simm.s32 @p1 $0x1;
	p0 =	seq.s32 s7, s2  }
0x1e: {  	s7 =	smul.u32 @!p0 $0xF7A, s2;
	p2 =	seq.s32 @!p0 s5, $0x0  }
0x1f: {  	s9 =	smul.u32 $0xF7A, s1;
	s8 =	simm.s32 @!p0 $0x1BF5;
	p2 =	por !p2, p0  }
0x20: {  	[sflag:s8] =	ssyncset.s32 @!p0 $0xFFFFF086;
	s6 =	sadd.s32 @!p0 s3, s7;
	s7 =	simm.s32 @!p0 $0x108  }
0x21: {  	s3 =	sadd.s32 s3, s9;
	s6 =	sadd.s32 @!p0 $0x88, s6;
	s7 =	simm.s32 @p2 $0x1082  }
0x22: {  	[simem:s7], [sflag:s8] =	dma.local @!p0 [hbm:s6], $0xF7A  }
0x23: {  	s9 =	sor.u32 $0xD0000000, s2;
	s6 =	simm.s32 $0x108;
	_ =	swait.ge @!p0 [sflag:s8], $0x0  }
0x24: {  	s3 =	sadd.s32 $0x88, s3;
	s6 =	simm.s32 @!p1 $0x1082;
	[sflag:s4] =	ssyncset.s32 $0xFFFFF086  }
0x25: {  	[simem:s6], [sflag:s4] =	dma.local [hbm:s3], $0xF7A  }
0x26: {  	[smem:$0x3F97] =	sst s1;
	(tag) =	ssettag s2;
	_ =	strace s9  }
0x27: {  	s1 =	sld [smem:$0x3FA7]  }
0x28: {  	s2 =	sld [smem:$0x3FA8]  }
0x29: {  	s4 =	sld [smem:$0x3FAA]  }
0x2a: {  	p0 =	seq.s32 s5, $0x0;
	s5 =	sld [smem:$0x3FAB]  }
0x2b: {  	s6 =	sld [smem:$0x3FAC]  }
0x2c: {  	s7 =	sld [smem:$0x3FAD]  }
0x2d: {  	s3 =	simm.s32 $0x108;
	s8 =	sld [smem:$0x3FAE]  }
0x2e: {  	s3 =	simm.s32 @!p0 $0x1082;
	s9 =	sld [smem:$0x3FAF]  }
0x2f: {  	lr =	sadd.s32 s0, s3;
	s0 =	sld [smem:$0x3FA6]  }
0x30: {  	s3 =	sld [smem:$0x3FA9]  }
0x31: {  	[smem:$0x3FB2] =	sst s10  }
0x32: {  	s10 =	sld [smem:$0x3FB0];
	_ =	sdelay $0x3  }
0x33: {  	p0 =	seq.s32 s10, $0x1;
	s10 =	sld [smem:$0x3FB2];
	_ =	sdelay $0x3  }
0x34: {  	[smem:$0x3FB2] =	sst s10  }
0x35: {  	s10 =	sld [smem:$0x3FB1];
	_ =	sdelay $0x3  }
0x36: {  	p1 =	seq.s32 s10, $0x1;
	s10 =	sld [smem:$0x3FB2];
	_ =	sdelay $0x3  }
0x37: {  	[smem:$0x3FB2] =	sst s10  }
0x38: {  	s10 =	sld [smem:$0x3FB3]  }
0x39: {  	_ = 	snop;
	(pc) =	sbr.ind lr, $3  }
0x3a: {  	_ = 	snop  }
0x3b: {  	_ = 	snop  }
0x3c: {  	p2 =	seq.s32 s10, $0x1;
	s10 =	sld [smem:$0x3FB2]  }
0x3d: {  	_ =	shalt  }
0x3e: {  	_ =	shalt  }
0x3f: {  	_ =	shalt  }
0x40: {  	_ =	shalt  }
0x41: {  	_ =	shalt  }
0x42: {  	_ =	shalt  }
0x43: {  	_ =	shalt  }
0x44: {  	_ =	shalt  }
0x45: {  	_ =	shalt  }
0x46: {  	_ =	shalt  }
0x47: {  	_ =	shalt  }
0x48: {  	_ =	shalt  }
0x49: {  	_ =	shalt  }
0x4a: {  	_ =	shalt  }
0x4b: {  	_ =	shalt  }
0x4c: {  	_ =	shalt  }
0x4d: {  	_ =	shalt  }
0x4e: {  	_ =	shalt  }
0x4f: {  	_ =	shalt  }
0x50: {  	_ =	shalt  }
0x51: {  	_ =	shalt  }
0x52: {  	_ =	shalt  }
0x53: {  	_ =	shalt  }
0x54: {  	_ =	shalt  }
0x55: {  	_ =	shalt  }
0x56: {  	_ =	shalt  }
0x57: {  	_ =	shalt  }
0x58: {  	_ =	shalt  }
0x59: {  	_ =	shalt  }
0x5a: {  	_ =	shalt  }
0x5b: {  	_ =	shalt  }
0x5c: {  	_ =	shalt  }
0x5d: {  	_ =	shalt  }
0x5e: {  	_ =	shalt  }
0x5f: {  	_ =	shalt  }
0x60: {  	_ =	shalt  }
0x61: {  	_ =	shalt  }
0x62: {  	_ =	shalt  }
0x63: {  	_ =	shalt  }
0x64: {  	_ =	shalt  }
0x65: {  	_ =	shalt  }
0x66: {  	_ =	shalt  }
0x67: {  	_ =	shalt  }
0x68: {  	_ =	shalt  }
0x69: {  	_ =	shalt  }
0x6a: {  	_ =	shalt  }
0x6b: {  	_ =	shalt  }
0x6c: {  	_ =	shalt  }
0x6d: {  	_ =	shalt  }
0x6e: {  	_ =	shalt  }
0x6f: {  	_ =	shalt  }
0x70: {  	_ =	shalt  }
0x71: {  	_ =	shalt  }
0x72: {  	_ =	shalt  }
0x73: {  	_ =	shalt  }
0x74: {  	_ =	shalt  }
0x75: {  	_ =	shalt  }
0x76: {  	_ =	shalt  }
0x77: {  	_ =	shalt  }
0x78: {  	_ =	shalt  }
0x79: {  	_ =	shalt  }
0x7a: {  	_ =	shalt  }
0x7b: {  	_ =	shalt  }
0x7c: {  	_ =	shalt  }
0x7d: {  	_ =	shalt  }
0x7e: {  	_ =	shalt  }
0x7f: {  	_ =	shalt  }
0x80: {  	_ =	shalt  }
0x81: {  	_ =	shalt  }
0x82: {  	_ =	shalt  }
0x83: {  	_ =	shalt  }
0x84: {  	_ =	shalt  }
0x85: {  	_ =	shalt  }
0x86: {  	_ =	shalt  }
0x87: {  	_ =	shalt  }
.Lfunc_end0:
.L_simem_size_0:
called_computation_lowered:
.L_overlay_start_0:
0x88: {  	s2 =	sld [smem:$0x3FD9]  }
0x89: {  	s3 =	sld [smem:$0x3FFE];
	_ =	sdelay $0x1  }
0x8a: {  	s1 =	srdreg.scid  }
0x8b: {  	s0 =	sand.u32 $0x1, s1  }
0x8c: {  	s17 =	sshll.u32 s0, $0xA;
	s2 =	sadd.s32 s3, s2  }
0x8d: {  	s2 =	sadd.s32 s2, s17  }
0x8e: {  	[smem:$0x3FBE] =	sst s2  }
0x8f: {  	_ = 	snop  }
0x90: {  	s2 =	sld [smem:$0x3FD0];
	(tm) =	ssettm $0x1  }
0x91: {  	s18 =	sld [smem:$0x3FFB];
	_ =	sdelay $0x3  }
0x92: {  	_ =	strace s18  }
0x93: {  	s3 =	sld [smem:$0x3FFC];
	_ =	sdelay $0x3  }
0x94: {  	_ =	strace s3  }
0x95: {  	s3 =	sld [smem:$0x3FFD];
	_ =	sdelay $0x3  }
0x96: {  	_ =	strace s3  }
0x97: {  	_ =	strace $0x8FFFFFFF  }
0x98: {  	s19 =	sld [smem:$0x3FDB];
	_ =	sdelay $0x1  }
0x99: {  	s4 =	simm.s32 $_scs_section_size  }
0x9a: {  	s5 =	simm.s32 $_size__tile_overlayer_lowered;
	s6 =	simm.s32 $_tile_overlayer_lowered  }
0x9b: {  	s22 =	simm.s32 $0x1BFF;
	s21 =	sshll.u32 s6, $0x1;
	s3 =	sadd.s32 s4, s19  }
0x9c: {  	s7 =	simm.s32 $0x0;
	s20 =	sshll.u32 s5, $0x1;
	s5 =	sadd.s32 s21, s3  }
0x9d: {  	[timem:s7], [sflag:s22] =	dma.local [hbm:s5], s20  }
0x9e: {  	_ =	swait.ge [sflag:s22], s20  }
0x9f: {  	s4 =	ssub.s32 $0x0, s20;
	[sflag:s22] =	ssyncset.done $0x0  }
0xa0: {  	[sflag:s22] =	ssyncadd.s32 s4;
	_ =	sdelay $0x1  }
0xa1: {  	s23 =	simm.s32 $0x1B8B  }
0xa2: {  	_ =	swait.ge [sflag:s23], $0x1  }
0xa3: {  	[sflag:s23] =	ssyncset.done $0x0  }
0xa4: {  	s25 =	simm.s32 $0x1B8E;
	s24 =	sld [smem:$0x3FFE];
	[sflag:s23] =	ssyncadd.s32 $0xFFFFFFFF  }
0xa5: {  	s26 =	simm.s32 $execute0_lowered;
	[smem:$0x3FD2] =	sst s25  }
0xa6: {  	s5 =	sshll.u32 s26, $0x1;
	_ =	strace $0x80000046;
	[dreg:$0x1] =	wrdreg $0xFFFFFFFF  }
0xa7: {  	s28 =	simm.s32 $_size_execute0_lowered;
	s3 =	sadd.s32 s3, s5;
	[dreg:$0x0] =	wrdreg $0x0  }
0xa8: {  	s5 =	sshll.u32 s28, $0x1;
	[dreg:$0x2] =	wrdreg s3  }
0xa9: {  	[dreg:$0x3] =	wrdreg s5  }
0xaa: {  	[dreg:$0x4] =	wrdreg $0xC0  }
0xab: {  	_ =	task [dreg:s7], $0x5FFFF  }
0xac: {  	[dreg:$0x1] =	wrdreg $0xFFFFFFFF  }
0xad: {  	[dreg:$0x0] =	wrdreg $0x60  }
0xae: {  	[dreg:$0x2] =	wrdreg s24  }
0xaf: {  	[dreg:$0x3] =	wrdreg s2  }
0xb0: {  	[dreg:$0x4] =	wrdreg $0x0  }
0xb1: {  	[dreg:$0x5] =	wrdreg $0x9  }
0xb2: {  	_ =	task.clear_ibuf [dreg:s7], $0x6FFFF;
	_ =	strace $0x90000046  }
0xb3: {  	s29 =	simm.s32 $0x9;
	_ =	strace $0x80000048  }
0xb4: {  	_ =	swait.ge [sflag:s29], $0x1  }
0xb5: {  	[sflag:s29] =	ssyncadd.s32 $0xFFFFFFFF  }
0xb6: {  	_ =	strace $0x90000048  }
0xb7: {  	_ =	sfence  }
0xb8: {  	s30 =	sld [smem:$0x0];
	_ =	sdelay $0x2  }
0xb9: {  	s31 =	sshll.u32 s1, $0xD;
	s1 =	sshrl.u32 s1, $0x2  }
0xba: {  	s3 =	sand.u32 $0x4000, s31;
	s1 =	sadd.s32 s1, s30  }
0xbb: {  	s0 =	sor.u32 s3, s0;
	s1 =	sshll.u32 s1, $0x11  }
0xbc: {  	s0 =	sor.u32 s1, s0  }
0xbd: {  	s0 =	sadd.s32 $0x8F2B, s0  }
0xbe: {  	[sflag:s0] =	ssyncadd.remote.s32 $0x1  }
0xbf: {  	_ =	sfence.sel $0xFFFF  }
0xc0: {  	[dreg:$0x0] =	wrdreg $0xFFFFFFFF;
	(pc) =	sbr.abs _section_cstart, $3  }
0xc1: {  	[dreg:$0x1] =	wrdreg $0xFFFFFFFF  }
0xc2: {  	_ =	task.clear_ibuf [dreg:s7], $0x2FFFF;
	_ =	strace $0x9FFFFFFF  }
0xc3: {  	(tm) =	ssettm $0x7FFFFFFF  }
tec
execute0_lowered:
.L_overlay_start_1:
0x0: {  	(tag) =	ssettag $0x1  }
0x1: {  	s4 =	rddreg [dreg:$0x0]  }
0x2: {  	s1 =	srdreg.scid;
	s6 =	rddreg [dreg:$0x1]  }
0x3: {  	s0 =	stileid.u32;
	s2 =	rddreg [dreg:$0x2];
	s3 =	simm.s32 $0x0  }
0x4: {  	s11 =	simm.s32 $0x80;
	s14 =	simm.s32 $0x20;
	s15 =	simm.s32 $0x10  }
0x5: {  	s5 =	sand.u32 $0x1, s1;
	s1 =	rddreg [dreg:$0x3];
	s8 =	smul.u32 $0xA00, s0  }
0x6: {  	s28 =	sshll.u32 s0, $0x1;
	[smem:$0x7FF] =	sst s3;
	s9 =	smul.u32 $0x500, s0  }
0x7: {  	s12 =	sshll.u32 s0, $0x6;
	s7 =	sor.u32 s5, s28;
	_ =	strace $0x80000047  }
0x8: {  	s29 =	ssub.s32 $0x2, s5;
	s5 =	sshll.u32 s5, $0x7;
	s12 =	sor.u32 $0x1C01, s12  }
0x9: {  	s7 =	smul.u32 $0x500, s7;
	s10 =	sshrl.u32 s29, $0x1;
	s8 =	sshrl.u32 s8, $0x2  }
0xa: {  	s5 =	sor.u32 s5, s9;
	s9 =	simm.s32 $0x1;
	s30 =	ssub.s32 s29, s10  }
0xb: {  	s31 =	sshrl.u32 s5, $0x3;
	s10 =	simm.s32 $0x280;
	s7 =	sadd.s32 s7, s4  }
0xc: {  	s4 =	sadd.s32 s8, s2;
	s6 =	sadd.s32 s6, s31;
	s8 =	simm.s32 $0x5280  }
0xd: {  	v0 =	vimm.f32 $0.0e+00;
	v1 =	vimm.f32 $1.000000000e+00;
	s5 =	sadd.s32 $0x1E00, s7;
	s7 =	smax.u32 s30, $0x1;
	s13 =	sshrl.u32 s4, $0x3  }
.LBB2_1:
0xe: {  	[tilespmem:$0x5280] =	vst v0  }
0xf: {  	[tilespmem:$0x5290] =	vst v0  }
0x10: {  	[tilespmem:$0x52A0] =	vst v0  }
0x11: {  	[tilespmem:$0x52B0] =	vst v0  }
0x12: {  	[tilespmem:$0x52C0] =	vst v0  }
0x13: {  	[tilespmem:$0x52D0] =	vst v0  }
0x14: {  	[tilespmem:$0x52E0] =	vst v0  }
0x15: {  	[tilespmem:$0x52F0] =	vst v0  }
0x16: {  	[tilespmem:$0x5300] =	vst v0  }
0x17: {  	[tilespmem:$0x5310] =	vst v0  }
0x18: {  	[tilespmem:$0x5320] =	vst v0  }
0x19: {  	[tilespmem:$0x5330] =	vst v0  }
0x1a: {  	[tilespmem:$0x5340] =	vst v0  }
0x1b: {  	[tilespmem:$0x5350] =	vst v0  }
0x1c: {  	[tilespmem:$0x5360] =	vst v0  }
0x1d: {  	[tilespmem:$0x5370] =	vst v0  }
0x1e: {  	[tilespmem:$0x5380] =	vst v0  }
0x1f: {  	[tilespmem:$0x5390] =	vst v0  }
0x20: {  	[tilespmem:$0x53A0] =	vst v0  }
0x21: {  	[tilespmem:$0x53B0] =	vst v0  }
0x22: {  	[tilespmem:$0x53C0] =	vst v0  }
0x23: {  	[tilespmem:$0x53D0] =	vst v0  }
0x24: {  	[tilespmem:$0x53E0] =	vst v0  }
0x25: {  	[tilespmem:$0x53F0] =	vst v0  }
0x26: {  	[tilespmem:$0x5400] =	vst v0  }
0x27: {  	[tilespmem:$0x5410] =	vst v0  }
0x28: {  	[tilespmem:$0x5420] =	vst v0  }
0x29: {  	[tilespmem:$0x5430] =	vst v0  }
0x2a: {  	[tilespmem:$0x5440] =	vst v0  }
0x2b: {  	[tilespmem:$0x5450] =	vst v0  }
0x2c: {  	[tilespmem:$0x5460] =	vst v0  }
0x2d: {  	[tilespmem:$0x5470] =	vst v0  }
0x2e: {  	[tilespmem:$0x5480] =	vst v0  }
0x2f: {  	[tilespmem:$0x5490] =	vst v0  }
0x30: {  	[tilespmem:$0x54A0] =	vst v0  }
0x31: {  	[tilespmem:$0x54B0] =	vst v0  }
0x32: {  	[tilespmem:$0x54C0] =	vst v0  }
0x33: {  	[tilespmem:$0x54D0] =	vst v0  }
0x34: {  	[tilespmem:$0x54E0] =	vst v0  }
0x35: {  	[tilespmem:$0x54F0] =	vst v0;
	s16 =	simm.s32 $0x0;
	s17 =	simm.s32 $0x200  }
.LBB2_2:
0x36: {  	p0 =	sne.s32 s17, $0x9E00;
	[tilespmem:s16+$0x2AF0] =	vst v1  }
0x37: {  	[tilespmem:s16+$0x2A80] =	vst v1  }
0x38: {  	[tilespmem:s16+$0x2A90] =	vst v1  }
.Ltmp0:
0x39: {  	[tilespmem:s16+$0x2AA0] =	vst v1;
	(pc) =	sbr.rel @p0 .LBB2_2-.Ltmp0, $4  }
0x3a: {  	[tilespmem:s16+$0x2AB0] =	vst v1  }
0x3b: {  	[tilespmem:s16+$0x2AC0] =	vst v1  }
0x3c: {  	[tilespmem:s16+$0x2AD0] =	vst v1  }
0x3d: {  	[tilespmem:s16+$0x2AE0] =	vst v1;
	s16 =	sshra.s32 s17, $0x2;
	s17 =	sadd.s32 $0x200, s17  }
0x3e: {  	[tilespmem:s16+$0x2AF0] =	vst v1  }
0x3f: {  	[tilespmem:s16+$0x2A80] =	vst v1  }
0x40: {  	[tilespmem:s16+$0x2A90] =	vst v1  }
0x41: {  	[tilespmem:s16+$0x2AA0] =	vst v1  }
0x42: {  	[tilespmem:s16+$0x2AB0] =	vst v1  }
0x43: {  	[tilespmem:s16+$0x2AC0] =	vst v1  }
0x44: {  	[tilespmem:s16+$0x2AD0] =	vst v1  }
0x45: {  	[tilespmem:s16+$0x2AE0] =	vst v1  }
0x46: {  	[spmem:s4] =	stream.linear.scatter [tilespmem:s8], [sflag:$0x1], $0x280, $0x38;
	[tilespmem:$0x5500] =	vst v63  }
0x47: {  	_ =	swait.ge [sflag:s9], $0x280  }
0x48: {  	[sflag:s9] =	ssyncset.done $0x0  }
0x49: {  	s30 =	simm.s32 $0x0;
	[sflag:s9] =	ssyncadd.s32 $0xFFFFFD80  }
0x4a: {  	[tilespmem:s10], [sflag:$0x1] =	stream.linear.gather [hbm4b:s5+s30], $0x2800, $0x38;
	[tilespmem:$0x5500] =	vst v63  }
0x4b: {  	_ =	swait.ge [sflag:s9], $0x2800  }
0x4c: {  	[sflag:s9] =	ssyncset.done $0x0  }
0x4d: {  	[sflag:s9] =	ssyncadd.s32 $0xFFFFD800  }
0x4e: {  	s31 =	simm.s32 $0x2A80;
	s17 =	simm.s32 $0x280;
	[bflag:$0x0] =	sbarrier.arrive $0xFFFF  }
0x4f: {  	[spmem:s2] =	stream.indirect.scatter.add.f32 [tilespmem:s31], [sflag:$0x1], $0x1, s17, s11, $0xb8;
	[tilespmem:$0x5500] =	vst v63  }
0x50: {  	s16 =	simm.s32 $0x200;
	_ =	swait.ge [sflag:s9], $0x80  }
.LBB2_4:
0x51: {  	s17 =	sshra.s32 s16, $0x2  }
0x52: {  	[sflag:s9] =	ssyncset.done $0x0;
	p0 =	sne.s32 s16, $0x9E00;
	s18 =	sadd.s32 $0x2A80, s17  }
.Ltmp1:
0x53: {  	s17 =	sadd.s32 $0x280, s17;
	[sflag:s9] =	ssyncadd.s32 $0xFFFFFF80;
	(pc) =	sbr.rel @p0 .LBB2_4-.Ltmp1, $3  }
0x54: {  	[spmem:s2] =	stream.indirect.scatter.add.f32 [tilespmem:s18], [sflag:$0x1], $0x1, s17, s11, $0xb8;
	[tilespmem:$0x5500] =	vst v63  }
0x55: {  	s16 =	sadd.s32 $0x200, s16;
	_ =	sdelay $0x1  }
0x56: {  	_ =	swait.ge [sflag:s9], $0x80  }
0x57: {  	[sflag:s9] =	ssyncset.done $0x0;
	s3 =	sadd.s32 $0x1, s3  }
0x58: {  	[sflag:s9] =	ssyncadd.s32 $0xFFFFFF80;
	p0 =	sne.s32 s3, s7  }
.Ltmp2:
0x59: {  	[bflag:$0x0] =	sbarrier.arrive $0xFFFF;
	(pc) =	sbr.rel @p0 .LBB2_1-.Ltmp2, $4  }
0x5a: {  	[hbm:s6@s14], [sflag:s12] =	dma.strided [spmem:s13@s15], $0x50, s9, $0x10   }
0x5b: {  	_ =	swait.ge [sflag:s9], $0x50  }
0x5c: {  	[sflag:s9] =	ssyncset.done $0x0  }
0x5d: {  	[sflag:s9] =	ssyncadd.s32 $0xFFFFFFB0  }
0x5e: {  	_ =	sfence.sel $0x180000  }
0x5f: {  	[bflag:$0x0] =	sbarrier.arrive $0xFFFF  }
0x60: {  	p0 =	sne.s32 s0, $0x0;
	_ =	strace $0x90000047  }
0x61: {  	s0 =	sadd.s32 @!p0 $0x100000, s1;
	[bflag:$0x2] =	sbarrier.arrive $0xFFFF  }
0x62: {  	[sflag:s0] =	ssyncadd.tile.s32 @!p0 $0x1;
	_ =	shalt  }
.Lfunc_end2:
_tile_overlayer_lowered:
.L_overlay_start_2:
0x63: {  	(tag) =	ssettag $0x2  }
0x64: {  	s0 =	rddreg [dreg:$0x0];
	s2 =	stileid.u32  }
0x65: {  	s1 =	rddreg [dreg:$0x1];
	p0 =	sne.s32 s2, $0x0  }
0x66: {  	s3 =	rddreg [dreg:$0x2];
	[bflag:$0x3] =	sbarrier.arrive $0xFFFF;
	s2 =	simm.s32 @!p0 $0x1C01  }
0x67: {  	[timem:s3], [sflag:s2] =	dma.local @!p0 [hbm:s0], s1  }
0x68: {  	s0 =	simm.s32 @!p0 $0x1  }
0x69: {  	_ =	swait.ge @!p0 [sflag:s0], s1  }
0x6a: {  	s1 =	ssub.s32 @!p0 $0x0, s1;
	[sflag:s0] =	ssyncset.done @!p0 $0x0  }
0x6b: {  	[sflag:s0] =	ssyncadd.s32 @!p0 s1  }
0x6c: {  	[bflag:$0x3] =	sbarrier.arrive $0xFFFF  }
0x6d: {  	_ =	shalt  }

// kernel: kernel.9.cloned.1.call-start
scs
__scs_entry_jumppad:
0x0: {  	(pc) =	sbr.rel $0x88, $3  }
0x1: {  	(tag) =	ssettag $0x0;
	lr =	simm.s32 $0x1  }
0x2: {  	[smem:$0x3F97] =	sst lr;
	_ =	strace $0xD0000000  }
0x3: {  	_ = 	snop  }
0x4: {  	_ = 	snop  }
0x5: {  	_ = 	snop  }
0x6: {  	_ = 	snop  }
0x7: {  	_ = 	snop  }
__scs_overlays_trampoline_lowered:
0x8: {  	[smem:$0x3FA6] =	sst s0  }
0x9: {  	[smem:$0x3FA7] =	sst s1  }
0xa: {  	[smem:$0x3FA8] =	sst s2  }
0xb: {  	[smem:$0x3FA9] =	sst s3  }
0xc: {  	[smem:$0x3FAA] =	sst s4  }
0xd: {  	[smem:$0x3FAB] =	sst s5  }
0xe: {  	[smem:$0x3FAC] =	sst s6  }
0xf: {  	[smem:$0x3FAD] =	sst s7  }
0x10: {  	[smem:$0x3FAE] =	sst s8  }
0x11: {  	[smem:$0x3FAF] =	sst s9;
	s0 =	simm.s32 @!p0 $0x0  }
0x12: {  	s1 =	sld [smem:$0x3F95];
	s0 =	simm.s32 @p0 $0x1  }
0x13: {  	[smem:$0x3FB0] =	sst s0;
	s0 =	simm.s32 @!p1 $0x0  }
0x14: {  	s2 =	sld [smem:$0x3F94];
	s0 =	simm.s32 @p1 $0x1  }
0x15: {  	[smem:$0x3FB1] =	sst s0;
	s0 =	simm.s32 @!p2 $0x0  }
0x16: {  	s3 =	sld [smem:$0x3FDB];
	s0 =	simm.s32 @p2 $0x1  }
0x17: {  	s4 =	simm.s32 $0x1BF5;
	[smem:$0x3FB3] =	sst s0  }
0x18: {  	s0 =	sld [smem:$0x3F96];
	_ =	swait.ge [sflag:s4], $0x0  }
0x19: {  	s7 =	sld [smem:$0x3F97]  }
0x1a: {  	s8 =	sadd.s32 $0xFFFFE003, lr  }
0x1b: {  	s9 =	sadd.s32 $0xFFFFFEF7, lr;
	s5 =	simm.s32 $0xFFFFFFFF;
	p2 =	slt.u32 s8, $0xFFFFF086  }
0x1c: {  	p1 =	slt.u32 s9, $0xF7A;
	s5 =	simm.s32 @!p2 $0x0  }
0x1d: {  	s5 =	simm.s32 @p1 $0x1;
	p0 =	seq.s32 s7, s2  }
0x1e: {  	s7 =	smul.u32 @!p0 $0xF7A, s2;
	p2 =	seq.s32 @!p0 s5, $0x0  }
0x1f: {  	s9 =	smul.u32 $0xF7A, s1;
	s8 =	simm.s32 @!p0 $0x1BF5;
	p2 =	por !p2, p0  }
0x20: {  	[sflag:s8] =	ssyncset.s32 @!p0 $0xFFFFF086;
	s6 =	sadd.s32 @!p0 s3, s7;
	s7 =	simm.s32 @!p0 $0x108  }
0x21: {  	s3 =	sadd.s32 s3, s9;
	s6 =	sadd.s32 @!p0 $0x88, s6;
	s7 =	simm.s32 @p2 $0x1082  }
0x22: {  	[simem:s7], [sflag:s8] =	dma.local @!p0 [hbm:s6], $0xF7A  }
0x23: {  	s9 =	sor.u32 $0xD0000000, s2;
	s6 =	simm.s32 $0x108;
	_ =	swait.ge @!p0 [sflag:s8], $0x0  }
0x24: {  	s3 =	sadd.s32 $0x88, s3;
	s6 =	simm.s32 @!p1 $0x1082;
	[sflag:s4] =	ssyncset.s32 $0xFFFFF086  }
0x25: {  	[simem:s6], [sflag:s4] =	dma.local [hbm:s3], $0xF7A  }
0x26: {  	[smem:$0x3F97] =	sst s1;
	(tag) =	ssettag s2;
	_ =	strace s9  }
0x27: {  	s1 =	sld [smem:$0x3FA7]  }
0x28: {  	s2 =	sld [smem:$0x3FA8]  }
0x29: {  	s4 =	sld [smem:$0x3FAA]  }
0x2a: {  	p0 =	seq.s32 s5, $0x0;
	s5 =	sld [smem:$0x3FAB]  }
0x2b: {  	s6 =	sld [smem:$0x3FAC]  }
0x2c: {  	s7 =	sld [smem:$0x3FAD]  }
0x2d: {  	s3 =	simm.s32 $0x108;
	s8 =	sld [smem:$0x3FAE]  }
0x2e: {  	s3 =	simm.s32 @!p0 $0x1082;
	s9 =	sld [smem:$0x3FAF]  }
0x2f: {  	lr =	sadd.s32 s0, s3;
	s0 =	sld [smem:$0x3FA6]  }
0x30: {  	s3 =	sld [smem:$0x3FA9]  }
0x31: {  	[smem:$0x3FB2] =	sst s10  }
0x32: {  	s10 =	sld [smem:$0x3FB0];
	_ =	sdelay $0x3  }
0x33: {  	p0 =	seq.s32 s10, $0x1;
	s10 =	sld [smem:$0x3FB2];
	_ =	sdelay $0x3  }
0x34: {  	[smem:$0x3FB2] =	sst s10  }
0x35: {  	s10 =	sld [smem:$0x3FB1];
	_ =	sdelay $0x3  }
0x36: {  	p1 =	seq.s32 s10, $0x1;
	s10 =	sld [smem:$0x3FB2];
	_ =	sdelay $0x3  }
0x37: {  	[smem:$0x3FB2] =	sst s10  }
0x38: {  	s10 =	sld [smem:$0x3FB3]  }
0x39: {  	_ = 	snop;
	(pc) =	sbr.ind lr, $3  }
0x3a: {  	_ = 	snop  }
0x3b: {  	_ = 	snop  }
0x3c: {  	p2 =	seq.s32 s10, $0x1;
	s10 =	sld [smem:$0x3FB2]  }
0x3d: {  	_ =	shalt  }
0x3e: {  	_ =	shalt  }
0x3f: {  	_ =	shalt  }
0x40: {  	_ =	shalt  }
0x41: {  	_ =	shalt  }
0x42: {  	_ =	shalt  }
0x43: {  	_ =	shalt  }
0x44: {  	_ =	shalt  }
0x45: {  	_ =	shalt  }
0x46: {  	_ =	shalt  }
0x47: {  	_ =	shalt  }
0x48: {  	_ =	shalt  }
0x49: {  	_ =	shalt  }
0x4a: {  	_ =	shalt  }
0x4b: {  	_ =	shalt  }
0x4c: {  	_ =	shalt  }
0x4d: {  	_ =	shalt  }
0x4e: {  	_ =	shalt  }
0x4f: {  	_ =	shalt  }
0x50: {  	_ =	shalt  }
0x51: {  	_ =	shalt  }
0x52: {  	_ =	shalt  }
0x53: {  	_ =	shalt  }
0x54: {  	_ =	shalt  }
0x55: {  	_ =	shalt  }
0x56: {  	_ =	shalt  }
0x57: {  	_ =	shalt  }
0x58: {  	_ =	shalt  }
0x59: {  	_ =	shalt  }
0x5a: {  	_ =	shalt  }
0x5b: {  	_ =	shalt  }
0x5c: {  	_ =	shalt  }
0x5d: {  	_ =	shalt  }
0x5e: {  	_ =	shalt  }
0x5f: {  	_ =	shalt  }
0x60: {  	_ =	shalt  }
0x61: {  	_ =	shalt  }
0x62: {  	_ =	shalt  }
0x63: {  	_ =	shalt  }
0x64: {  	_ =	shalt  }
0x65: {  	_ =	shalt  }
0x66: {  	_ =	shalt  }
0x67: {  	_ =	shalt  }
0x68: {  	_ =	shalt  }
0x69: {  	_ =	shalt  }
0x6a: {  	_ =	shalt  }
0x6b: {  	_ =	shalt  }
0x6c: {  	_ =	shalt  }
0x6d: {  	_ =	shalt  }
0x6e: {  	_ =	shalt  }
0x6f: {  	_ =	shalt  }
0x70: {  	_ =	shalt  }
0x71: {  	_ =	shalt  }
0x72: {  	_ =	shalt  }
0x73: {  	_ =	shalt  }
0x74: {  	_ =	shalt  }
0x75: {  	_ =	shalt  }
0x76: {  	_ =	shalt  }
0x77: {  	_ =	shalt  }
0x78: {  	_ =	shalt  }
0x79: {  	_ =	shalt  }
0x7a: {  	_ =	shalt  }
0x7b: {  	_ =	shalt  }
0x7c: {  	_ =	shalt  }
0x7d: {  	_ =	shalt  }
0x7e: {  	_ =	shalt  }
0x7f: {  	_ =	shalt  }
0x80: {  	_ =	shalt  }
0x81: {  	_ =	shalt  }
0x82: {  	_ =	shalt  }
0x83: {  	_ =	shalt  }
0x84: {  	_ =	shalt  }
0x85: {  	_ =	shalt  }
0x86: {  	_ =	shalt  }
0x87: {  	_ =	shalt  }
.Lfunc_end0:
.L_simem_size_0:
called_computation.1_lowered:
.L_overlay_start_0:
0x88: {  	s2 =	sld [smem:$0x3FD9]  }
0x89: {  	s3 =	sld [smem:$0x3FFE];
	_ =	sdelay $0x1  }
0x8a: {  	s1 =	srdreg.scid  }
0x8b: {  	s0 =	sand.u32 $0x1, s1  }
0x8c: {  	s16 =	sshll.u32 s0, $0xA;
	s2 =	sadd.s32 s3, s2  }
0x8d: {  	s2 =	sadd.s32 s2, s16  }
0x8e: {  	[smem:$0x3FBE] =	sst s2  }
0x8f: {  	_ = 	snop  }
0x90: {  	(tm) =	ssettm $0x1  }
0x91: {  	s17 =	sld [smem:$0x3FFB];
	_ =	sdelay $0x3  }
0x92: {  	_ =	strace s17  }
0x93: {  	s2 =	sld [smem:$0x3FFC];
	_ =	sdelay $0x3  }
0x94: {  	_ =	strace s2  }
0x95: {  	s2 =	sld [smem:$0x3FFD];
	_ =	sdelay $0x3  }
0x96: {  	_ =	strace s2  }
0x97: {  	_ =	strace $0x8FFFFFFF  }
0x98: {  	s18 =	sld [smem:$0x3FDB];
	_ =	sdelay $0x1  }
0x99: {  	s19 =	simm.s32 $_scs_section_size  }
0x9a: {  	s4 =	simm.s32 $_size__tile_overlayer_lowered;
	s5 =	simm.s32 $_tile_overlayer_lowered  }
0x9b: {  	s22 =	simm.s32 $0x1BFF;
	s21 =	sshll.u32 s5, $0x1;
	s2 =	sadd.s32 s19, s18  }
0x9c: {  	s6 =	simm.s32 $0x0;
	s20 =	sshll.u32 s4, $0x1;
	s4 =	sadd.s32 s21, s2  }
0x9d: {  	[timem:s6], [sflag:s22] =	dma.local [hbm:s4], s20  }
0x9e: {  	_ =	swait.ge [sflag:s22], s20  }
0x9f: {  	s3 =	ssub.s32 $0x0, s20;
	[sflag:s22] =	ssyncset.done $0x0  }
0xa0: {  	[sflag:s22] =	ssyncadd.s32 s3;
	_ =	sdelay $0x1  }
0xa1: {  	s23 =	simm.s32 $0x1B8B  }
0xa2: {  	_ =	swait.ge [sflag:s23], $0x1  }
0xa3: {  	[sflag:s23] =	ssyncset.done $0x0  }
0xa4: {  	s25 =	simm.s32 $0x1B8E;
	s24 =	sld [smem:$0x3FFE];
	[sflag:s23] =	ssyncadd.s32 $0xFFFFFFFF  }
0xa5: {  	s26 =	simm.s32 $execute0_lowered;
	[smem:$0x3FD2] =	sst s25  }
0xa6: {  	s4 =	sshll.u32 s26, $0x1;
	_ =	strace $0x80000049;
	[dreg:$0x1] =	wrdreg $0xFFFFFFFF  }
0xa7: {  	s28 =	simm.s32 $_size_execute0_lowered;
	s2 =	sadd.s32 s2, s4;
	[dreg:$0x0] =	wrdreg $0x0  }
0xa8: {  	s4 =	sshll.u32 s28, $0x1;
	[dreg:$0x2] =	wrdreg s2  }
0xa9: {  	[dreg:$0x3] =	wrdreg s4  }
0xaa: {  	[dreg:$0x4] =	wrdreg $0xC0  }
0xab: {  	_ =	task [dreg:s6], $0x5FFFF  }
0xac: {  	[dreg:$0x1] =	wrdreg $0xFFFFFFFF  }
0xad: {  	[dreg:$0x0] =	wrdreg $0x60  }
0xae: {  	[dreg:$0x2] =	wrdreg s24  }
0xaf: {  	[dreg:$0x3] =	wrdreg $0x0  }
0xb0: {  	[dreg:$0x4] =	wrdreg $0x9  }
0xb1: {  	_ =	task.clear_ibuf [dreg:s6], $0x5FFFF;
	_ =	strace $0x90000049  }
0xb2: {  	s29 =	simm.s32 $0x9;
	_ =	strace $0x8000004B  }
0xb3: {  	_ =	swait.ge [sflag:s29], $0x1  }
0xb4: {  	[sflag:s29] =	ssyncadd.s32 $0xFFFFFFFF  }
0xb5: {  	_ =	strace $0x9000004B  }
0xb6: {  	_ =	sfence  }
0xb7: {  	s30 =	sld [smem:$0x0];
	_ =	sdelay $0x2  }
0xb8: {  	s31 =	sshll.u32 s1, $0xD;
	s1 =	sshrl.u32 s1, $0x2  }
0xb9: {  	s3 =	sand.u32 $0x4000, s31;
	s1 =	sadd.s32 s1, s30  }
0xba: {  	s0 =	sor.u32 s3, s0;
	s1 =	sshll.u32 s1, $0x11  }
0xbb: {  	s0 =	sor.u32 s1, s0  }
0xbc: {  	s0 =	sadd.s32 $0x8F2B, s0  }
0xbd: {  	[sflag:s0] =	ssyncadd.remote.s32 $0x1  }
0xbe: {  	_ =	sfence.sel $0xFFFF  }
0xbf: {  	[dreg:$0x0] =	wrdreg $0xFFFFFFFF;
	(pc) =	sbr.abs _section_cstart, $3  }
0xc0: {  	[dreg:$0x1] =	wrdreg $0xFFFFFFFF  }
0xc1: {  	_ =	task.clear_ibuf [dreg:s6], $0x2FFFF;
	_ =	strace $0x9FFFFFFF  }
0xc2: {  	(tm) =	ssettm $0x7FFFFFFF  }
0xc3: {  	_ =	shalt  }
tec
execute0_lowered:
.L_overlay_start_1:
0x0: {  	(tag) =	ssettag $0x1  }
0x1: {  	s0 =	rddreg [dreg:$0x0]  }
0x2: {  	s1 =	srdreg.scid;
	s10 =	stileid.u32  }
0x3: {  	s2 =	rddreg [dreg:$0x1];
	s3 =	simm.s32 $0x0;
	s6 =	smul.u32 $0x14000, s10  }
0x4: {  	s1 =	sand.u32 $0x1, s1;
	s8 =	smul.u32 $0x50000, s10;
	s10 =	sshll.u32 s10, $0x1  }
0x5: {  	s5 =	smul.u32 $0x140000, s1;
	s16 =	ssub.s32 $0x2, s1;
	s1 =	sor.u32 s1, s10  }
0x6: {  	[smem:$0x7FF] =	sst s3;
	s4 =	sadd.s32 $0x33E00, s0;
	s10 =	smul.u32 $0x5000, s1  }
0x7: {  	s8 =	sshrl.u32 s8, $0x2;
	s6 =	sadd.s32 s6, s5;
	s5 =	sadd.s32 $0x1FE00, s0  }
0x8: {  	s7 =	sshrl.u32 s6, $0x3;
	s6 =	sadd.s32 $0xBE00, s0;
	s23 =	sshrl.u32 s10, $0x3  }
0x9: {  	s0 =	sadd.s32 s7, s0;
	s7 =	sadd.s32 s8, s2;
	s1 =	sadd.s32 s6, s23  }
0xa: {  	_ =	strace $0x8000004A;
	s8 =	sadd.s32 $0x2000, s7;
	[dreg:$0xc] =	wrdreg s1  }
0xb: {  	s17 =	sadd.s32 $0x4000, s7;
	[dreg:$0x3] =	wrdreg s8  }
0xc: {  	s28 =	simm.s32 $0x14080;
	s18 =	sadd.s32 $0x6000, s7;
	[dreg:$0x4] =	wrdreg s17  }
0xd: {  	s29 =	simm.s32 $0x2;
	s19 =	sadd.s32 $0x8000, s7;
	[dreg:$0x5] =	wrdreg s18  }
0xe: {  	s30 =	simm.s32 $0x40;
	s20 =	sadd.s32 $0xA000, s7;
	[dreg:$0x6] =	wrdreg s19  }
0xf: {  	s31 =	simm.s32 $0x14100;
	s21 =	sadd.s32 $0xC000, s7;
	[dreg:$0x7] =	wrdreg s20  }
0x10: {  	s11 =	simm.s32 $0x3;
	s22 =	sadd.s32 $0xE000, s7;
	[dreg:$0x8] =	wrdreg s21  }
0x11: {  	s12 =	simm.s32 $0x0;
	s24 =	sadd.s32 $0x10000, s7;
	[dreg:$0x9] =	wrdreg s22  }
0x12: {  	s9 =	sshrl.u32 s16, $0x1;
	s25 =	sadd.s32 $0x12000, s7;
	[dreg:$0xa] =	wrdreg s24  }
0x13: {  	s9 =	ssub.s32 s16, s9;
	s0 =	sadd.s32 $0x63E00, s0;
	[dreg:$0xb] =	wrdreg s25  }
0x14: {  	s1 =	simm.s32 $0x14280;
	s18 =	sadd.s32 s5, s23;
	[dreg:$0xe] =	wrdreg s0  }
0x15: {  	s22 =	smax.u32 s9, $0x1;
	s23 =	simm.s32 $0x14300;
	s24 =	simm.s32 $0x4  }
0x16: {  	s25 =	simm.s32 $0x14200;
	s0 =	simm.s32 $0x16300;
	s26 =	sadd.s32 $0x10, s18  }
0x17: {  	v0 =	vimm.f32 $0.0e+00;
	s8 =	simm.s32 $0x1;
	s9 =	simm.s32 $0x14180;
	[dreg:$0xd] =	wrdreg s26  }
.LBB2_1:
0x18: {  	s13 =	simm.s32 $0x0;
	s14 =	simm.s32 $0x200  }
.LBB2_2:
0x19: {  	p0 =	sne.s32 s14, $0x7E00;
	[tilespmem:s13+$0x14370] =	vst v0  }
0x1a: {  	[tilespmem:s13+$0x14300] =	vst v0  }
0x1b: {  	[tilespmem:s13+$0x14310] =	vst v0  }
.Ltmp0:
0x1c: {  	[tilespmem:s13+$0x14320] =	vst v0;
	(pc) =	sbr.rel @p0 .LBB2_2-.Ltmp0, $4  }
0x1d: {  	[tilespmem:s13+$0x14330] =	vst v0  }
0x1e: {  	[tilespmem:s13+$0x14340] =	vst v0  }
0x1f: {  	[tilespmem:s13+$0x14350] =	vst v0  }
0x20: {  	[tilespmem:s13+$0x14360] =	vst v0;
	s13 =	sshra.s32 s14, $0x2;
	s14 =	sadd.s32 $0x200, s14  }
0x21: {  	[tilespmem:s13+$0x14370] =	vst v0  }
0x22: {  	[tilespmem:s13+$0x14300] =	vst v0  }
0x23: {  	[tilespmem:s13+$0x14310] =	vst v0  }
0x24: {  	[tilespmem:s13+$0x14320] =	vst v0  }
0x25: {  	[tilespmem:s13+$0x14330] =	vst v0  }
0x26: {  	[tilespmem:s13+$0x14340] =	vst v0  }
0x27: {  	[tilespmem:s13+$0x14350] =	vst v0  }
0x28: {  	[tilespmem:s13+$0x14360] =	vst v0  }
0x29: {  	[spmem:s7] =	stream.linear.scatter [tilespmem:s23], [sflag:$0x4], $0x2000, $0x38;
	[tilespmem:$0x18300] =	vst v63  }
0x2a: {  	_ =	swait.ge [sflag:s24], $0x2000  }
0x2b: {  	[sflag:s24] =	ssyncset.done $0x0  }
0x2c: {  	s21 =	rddreg [dreg:$0x3];
	[sflag:s24] =	ssyncadd.s32 $0xFFFFE000  }
0x2d: {  	[spmem:s21] =	stream.linear.scatter [tilespmem:s23], [sflag:$0x4], $0x2000, $0x38;
	[tilespmem:$0x18300] =	vst v63  }
0x2e: {  	_ =	swait.ge [sflag:s24], $0x2000  }
0x2f: {  	[sflag:s24] =	ssyncset.done $0x0  }
0x30: {  	s26 =	rddreg [dreg:$0x4];
	[sflag:s24] =	ssyncadd.s32 $0xFFFFE000  }
0x31: {  	[spmem:s26] =	stream.linear.scatter [tilespmem:s23], [sflag:$0x4], $0x2000, $0x38;
	[tilespmem:$0x18300] =	vst v63  }
0x32: {  	_ =	swait.ge [sflag:s24], $0x2000  }
0x33: {  	[sflag:s24] =	ssyncset.done $0x0  }
0x34: {  	s14 =	rddreg [dreg:$0x5];
	[sflag:s24] =	ssyncadd.s32 $0xFFFFE000  }
0x35: {  	[spmem:s14] =	stream.linear.scatter [tilespmem:s23], [sflag:$0x4], $0x2000, $0x38;
	[tilespmem:$0x18300] =	vst v63  }
0x36: {  	_ =	swait.ge [sflag:s24], $0x2000  }
0x37: {  	[sflag:s24] =	ssyncset.done $0x0  }
0x38: {  	s15 =	rddreg [dreg:$0x6];
	[sflag:s24] =	ssyncadd.s32 $0xFFFFE000  }
0x39: {  	[spmem:s15] =	stream.linear.scatter [tilespmem:s23], [sflag:$0x4], $0x2000, $0x38;
	[tilespmem:$0x18300] =	vst v63  }
0x3a: {  	_ =	swait.ge [sflag:s24], $0x2000  }
0x3b: {  	[sflag:s24] =	ssyncset.done $0x0  }
0x3c: {  	s16 =	rddreg [dreg:$0x7];
	[sflag:s24] =	ssyncadd.s32 $0xFFFFE000  }
0x3d: {  	[spmem:s16] =	stream.linear.scatter [tilespmem:s23], [sflag:$0x4], $0x2000, $0x38;
	[tilespmem:$0x18300] =	vst v63  }
0x3e: {  	_ =	swait.ge [sflag:s24], $0x2000  }
0x3f: {  	[sflag:s24] =	ssyncset.done $0x0  }
0x40: {  	s17 =	rddreg [dreg:$0x8];
	[sflag:s24] =	ssyncadd.s32 $0xFFFFE000  }
0x41: {  	[spmem:s17] =	stream.linear.scatter [tilespmem:s23], [sflag:$0x4], $0x2000, $0x38;
	[tilespmem:$0x18300] =	vst v63  }
0x42: {  	_ =	swait.ge [sflag:s24], $0x2000  }
0x43: {  	[sflag:s24] =	ssyncset.done $0x0  }
0x44: {  	s19 =	rddreg [dreg:$0x9];
	[sflag:s24] =	ssyncadd.s32 $0xFFFFE000  }
0x45: {  	[spmem:s19] =	stream.linear.scatter [tilespmem:s23], [sflag:$0x4], $0x2000, $0x38;
	[tilespmem:$0x18300] =	vst v63  }
0x46: {  	_ =	swait.ge [sflag:s24], $0x2000  }
0x47: {  	[sflag:s24] =	ssyncset.done $0x0  }
0x48: {  	s20 =	rddreg [dreg:$0xa];
	[sflag:s24] =	ssyncadd.s32 $0xFFFFE000  }
0x49: {  	[spmem:s20] =	stream.linear.scatter [tilespmem:s23], [sflag:$0x4], $0x2000, $0x38;
	[tilespmem:$0x18300] =	vst v63  }
0x4a: {  	_ =	swait.ge [sflag:s24], $0x2000  }
0x4b: {  	[sflag:s24] =	ssyncset.done $0x0  }
0x4c: {  	s21 =	rddreg [dreg:$0xb];
	[sflag:s24] =	ssyncadd.s32 $0xFFFFE000  }
0x4d: {  	[spmem:s21] =	stream.linear.scatter [tilespmem:s23], [sflag:$0x4], $0x2000, $0x38;
	[tilespmem:$0x18300] =	vst v63  }
0x4e: {  	_ =	swait.ge [sflag:s24], $0x2000  }
0x4f: {  	[sflag:s24] =	ssyncset.done $0x0  }
0x50: {  	[sflag:s24] =	ssyncadd.s32 $0xFFFFE000  }
0x51: {  	[bflag:$0x0] =	sbarrier.arrive $0xFFFF  }
0x52: {  	s26 =	simm.s32 $0x0;
	s14 =	rddreg [dreg:$0xc]  }
0x53: {  	[tilespmem:s25], [sflag:$0x4] =	stream.linear.gather [hbm4b:s14+s26], $0x80, $0x38;
	[tilespmem:$0x18300] =	vst v63  }
0x54: {  	_ =	swait.ge [sflag:s24], $0x80  }
0x55: {  	[sflag:s24] =	ssyncset.done $0x0  }
0x56: {  	s15 =	simm.s32 $0x14000;
	s17 =	sand.u32 $0x7C00, s26;
	[sflag:s24] =	ssyncadd.s32 $0xFFFFFF80  }
0x57: {  	[tilespmem:s15], [sflag:$0x2] =	stream.linear.gather [hbm4b:s18+s26], $0x80, $0x38;
	[tilespmem:$0x18300] =	vst v63  }
0x58: {  	s13 =	sand.u32 $0x200, s26;
	s14 =	sadd.s32 s10, s17;
	s16 =	rddreg [dreg:$0xd]  }
0x59: {  	[tilespmem:s28], [sflag:$0x2] =	stream.linear.gather [hbm4b:s16+s26], $0x80, $0x38;
	[tilespmem:$0x18300] =	vst v63  }
0x5a: {  	s13 =	sor.u32 s14, s13;
	_ =	swait.ge [sflag:s29], $0x80  }
0x5b: {  	s13 =	sshrl.u32 s13, $0x3;
	[sflag:s29] =	ssyncset.done $0x0  }
0x5c: {  	s19 =	sor.u32 $0x20, s13;
	[sflag:s29] =	ssyncadd.s32 $0xFFFFFF80  }
0x5d: {  	[tilespmem:s23], [sflag:$0x1] =	stream.indirect.gather [hbm4b:s4+s30], $0x80, s15, s30, $0xb8;
	[tilespmem:$0x18300] =	vst v63  }
0x5e: {  	s20 =	sadd.s32 s5, s19  }
0x5f: {  	[tilespmem:s31], [sflag:$0x2] =	stream.linear.gather [hbm4b:s20+s3], $0x80, $0x38;
	[tilespmem:$0x18300] =	vst v63  }
0x60: {  	_ =	swait.ge [sflag:s29], $0x80  }
0x61: {  	[sflag:s29] =	ssyncset.done $0x0  }
0x62: {  	s21 =	sadd.s32 s13, s6;
	[sflag:s29] =	ssyncadd.s32 $0xFFFFFF80  }
0x63: {  	[tilespmem:s0], [sflag:$0x1] =	stream.indirect.gather [hbm4b:s4+s30], $0x80, s28, s30, $0xb8;
	[tilespmem:$0x18300] =	vst v63  }
0x64: {  	s15 =	sadd.s32 $0x10, s21  }
0x65: {  	[tilespmem:s1], [sflag:$0x3] =	stream.linear.gather [hbm4b:s15+s3], $0x80, $0x38;
	[tilespmem:$0x18300] =	vst v63  }
0x66: {  	_ =	swait.ge [sflag:s8], $0x2000  }
0x67: {  	p0 =	por $0x1, $0x1;
	[sflag:s8] =	ssyncset.done $0x0  }
0x68: {  	s15 =	simm.s32 @!p0 $0x3;
	[sflag:s8] =	ssyncadd.s32 $0xFFFFE000  }
0x69: {  	_ =	swait.ge @!p0 [sflag:s15], $0x80  }
0x6a: {  	[sflag:s15] =	ssyncset.done @!p0 $0x0  }
0x6b: {  	[sflag:s15] =	ssyncadd.s32 @!p0 $0xFFFFFF80  }
0x6c: {  	[spmem:s2] =	stream.indirect.scatter.add.f32 [tilespmem:s23], [sflag:$0x4], $0x80, s25, s30, $0xb8;
	[tilespmem:$0x18300] =	vst v63  }
0x6d: {  	_ =	swait.ge [sflag:s24], $0x2000  }
0x6e: {  	s13 =	sor.u32 $0x30, s13;
	[sflag:s24] =	ssyncset.done $0x0  }
0x6f: {  	s26 =	sadd.s32 s5, s13;
	[sflag:s24] =	ssyncadd.s32 $0xFFFFE000  }
0x70: {  	[tilespmem:s9], [sflag:$0x2] =	stream.linear.gather [hbm4b:s26+s3], $0x80, $0x38;
	[tilespmem:$0x18300] =	vst v63  }
0x71: {  	_ =	swait.ge [sflag:s29], $0x80  }
0x72: {  	[sflag:s29] =	ssyncset.done $0x0  }
0x73: {  	[sflag:s29] =	ssyncadd.s32 $0xFFFFFF80  }
0x74: {  	[tilespmem:s23], [sflag:$0x1] =	stream.indirect.gather [hbm4b:s4+s30], $0x80, s31, s30, $0xb8;
	[tilespmem:$0x18300] =	vst v63  }
0x75: {  	s14 =	sadd.s32 s6, s19  }
0x76: {  	[tilespmem:s25], [sflag:$0x3] =	stream.linear.gather [hbm4b:s14+s3], $0x80, $0x38;
	[tilespmem:$0x18300] =	vst v63  }
0x77: {  	_ =	swait.ge [sflag:s8], $0x2000  }
0x78: {  	[sflag:s8] =	ssyncset.done $0x0  }
0x79: {  	p1 =	por $0x0, $0x0;
	[sflag:s8] =	ssyncadd.s32 $0xFFFFE000  }
0x7a: {  	s14 =	simm.s32 @!p1 $0x200;
	_ =	swait.ge [sflag:s11], $0x80  }
0x7b: {  	s15 =	sand.u32 @!p1 $0xFC00, s14;
	[sflag:s11] =	ssyncset.done $0x0  }
0x7c: {  	s14 =	sand.u32 @!p1 $0x200, s14;
	s15 =	sadd.s32 @!p1 s10, s15;
	[sflag:s11] =	ssyncadd.s32 $0xFFFFFF80  }
0x7d: {  	[spmem:s2] =	stream.indirect.scatter.add.f32 [tilespmem:s0], [sflag:$0x4], $0x80, s1, s30, $0xb8;
	[tilespmem:$0x18300] =	vst v63  }
0x7e: {  	s14 =	sor.u32 @!p1 s14, s15;
	_ =	swait.ge [sflag:s24], $0x2000  }
0x7f: {  	s17 =	simm.s32 @!p1 $0x14000;
	s19 =	sshrl.u32 @!p1 s14, $0x3;
	[sflag:s24] =	ssyncset.done $0x0  }
0x80: {  	s16 =	simm.s32 @!p1 $0x0;
	s14 =	sadd.s32 @!p1 s5, s19;
	[sflag:s24] =	ssyncadd.s32 $0xFFFFE000  }
0x81: {  	[tilespmem:s17], [sflag:$0x2] =	stream.linear.gather @!p1 [hbm4b:s14+s16], $0x80, $0x38;
	[tilespmem:$0x18300] =	vst v63  }
0x82: {  	_ =	swait.ge [sflag:s29], $0x80  }
0x83: {  	[sflag:s29] =	ssyncset.done $0x0  }
0x84: {  	[sflag:s29] =	ssyncadd.s32 $0xFFFFFF80  }
0x85: {  	[tilespmem:s0], [sflag:$0x1] =	stream.indirect.gather [hbm4b:s4+s30], $0x80, s9, s30, $0xb8;
	[tilespmem:$0x18300] =	vst v63  }
0x86: {  	s13 =	sadd.s32 s6, s13  }
0x87: {  	[tilespmem:s1], [sflag:$0x3] =	stream.linear.gather [hbm4b:s13+s3], $0x80, $0x38;
	[tilespmem:$0x18300] =	vst v63  }
0x88: {  	_ =	swait.ge [sflag:s8], $0x2000  }
0x89: {  	[sflag:s8] =	ssyncset.done $0x0  }
0x8a: {  	[sflag:s8] =	ssyncadd.s32 $0xFFFFE000  }
0x8b: {  	s13 =	simm.s32 @!p1 $0x280;
	_ =	swait.ge [sflag:s11], $0x80  }
0x8c: {  	s14 =	sand.u32 @!p1 $0xFC00, s13;
	[sflag:s11] =	ssyncset.done $0x0  }
0x8d: {  	s13 =	sand.u32 @!p1 $0x280, s13;
	s14 =	sadd.s32 @!p1 s10, s14;
	[sflag:s11] =	ssyncadd.s32 $0xFFFFFF80  }
0x8e: {  	[spmem:s2] =	stream.indirect.scatter.add.f32 [tilespmem:s23], [sflag:$0x4], $0x80, s25, s30, $0xb8;
	[tilespmem:$0x18300] =	vst v63  }
0x8f: {  	s20 =	simm.s32 @!p1 $0x14080;
	s13 =	sor.u32 @!p1 s13, s14;
	_ =	swait.ge [sflag:s24], $0x2000  }
0x90: {  	s15 =	simm.s32 @!p1 $0x2;
	s14 =	sshrl.u32 @!p1 s13, $0x3;
	[sflag:s24] =	ssyncset.done $0x0  }
0x91: {  	s26 =	sadd.s32 @!p1 s6, s19;
	s14 =	sadd.s32 @!p1 s5, s14;
	[sflag:s24] =	ssyncadd.s32 $0xFFFFE000  }
0x92: {  	[tilespmem:s20], [sflag:$0x2] =	stream.linear.gather @!p1 [hbm4b:s14+s16], $0x80, $0x38;
	[tilespmem:$0x18300] =	vst v63  }
0x93: {  	s19 =	simm.s32 @!p1 $0x40;
	s13 =	simm.s32 $0x200;
	_ =	swait.ge @!p1 [sflag:s15], $0x80  }
0x94: {  	s14 =	simm.s32 $0x400;
	s20 =	simm.s32 @!p1 $0x14300;
	[sflag:s15] =	ssyncset.done @!p1 $0x0  }
.LBB2_4:
0x95: {  	[sflag:s15] =	ssyncadd.s32 @!p1 $0xFFFFFF80  }
0x96: {  	s21 =	simm.s32 @!p1 $0x14200;
	s15 =	smov.u32 s14;
	s14 =	sadd.s32 $0x200, s14  }
0x97: {  	[tilespmem:s20], [sflag:$0x1] =	stream.indirect.gather @!p1 [hbm4b:s4+s19], $0x80, s17, s19, $0xb8;
	[tilespmem:$0x18300] =	vst v63  }
0x98: {  	p0 =	sne.s32 s14, $0x5000;
	s17 =	sand.u32 $0x7C00, s13  }
0x99: {  	[tilespmem:s21], [sflag:$0x3] =	stream.linear.gather @!p1 [hbm4b:s26+s16], $0x80, $0x38;
	[tilespmem:$0x18300] =	vst v63  }
0x9a: {  	s16 =	sadd.s32 s10, s17;
	s17 =	sand.u32 $0x200, s13;
	_ =	swait.ge [sflag:s8], $0x2000  }
0x9b: {  	[sflag:s8] =	ssyncset.done $0x0  }
0x9c: {  	s16 =	sor.u32 s16, s17;
	[sflag:s8] =	ssyncadd.s32 $0xFFFFE000  }
0x9d: {  	s16 =	sshrl.u32 s16, $0x3;
	_ =	swait.ge [sflag:s11], $0x80  }
0x9e: {  	s17 =	sor.u32 $0x20, s16;
	s19 =	sadd.s32 s16, s6;
	[sflag:s11] =	ssyncset.done $0x0  }
0x9f: {  	[sflag:s11] =	ssyncadd.s32 $0xFFFFFF80  }
0xa0: {  	[spmem:s2] =	stream.indirect.scatter.add.f32 [tilespmem:s0], [sflag:$0x4], $0x80, s1, s30, $0xb8;
	[tilespmem:$0x18300] =	vst v63  }
0xa1: {  	_ =	swait.ge [sflag:s24], $0x2000  }
0xa2: {  	s20 =	sadd.s32 s5, s17;
	[sflag:s24] =	ssyncset.done $0x0  }
0xa3: {  	[sflag:s24] =	ssyncadd.s32 $0xFFFFE000  }
0xa4: {  	[tilespmem:s31], [sflag:$0x2] =	stream.linear.gather [hbm4b:s20+s3], $0x80, $0x38;
	[tilespmem:$0x18300] =	vst v63  }
0xa5: {  	s19 =	sadd.s32 $0x10, s19;
	_ =	swait.ge [sflag:s29], $0x80  }
0xa6: {  	[sflag:s29] =	ssyncset.done $0x0  }
0xa7: {  	p1 =	seq.s32 s13, $0x0;
	[sflag:s29] =	ssyncadd.s32 $0xFFFFFF80  }
0xa8: {  	[tilespmem:s0], [sflag:$0x1] =	stream.indirect.gather [hbm4b:s4+s30], $0x80, s28, s30, $0xb8;
	[tilespmem:$0x18300] =	vst v63  }
0xa9: {  	s20 =	simm.s32 @!p1 $0x3  }
0xaa: {  	[tilespmem:s1], [sflag:$0x3] =	stream.linear.gather [hbm4b:s19+s3], $0x80, $0x38;
	[tilespmem:$0x18300] =	vst v63  }
0xab: {  	_ =	swait.ge [sflag:s8], $0x2000  }
0xac: {  	[sflag:s8] =	ssyncset.done $0x0  }
0xad: {  	[sflag:s8] =	ssyncadd.s32 $0xFFFFE000  }
0xae: {  	_ =	swait.ge @!p1 [sflag:s20], $0x80  }
0xaf: {  	s19 =	sor.u32 $0x30, s16;
	[sflag:s20] =	ssyncset.done @!p1 $0x0  }
0xb0: {  	s16 =	sadd.s32 s5, s19;
	[sflag:s20] =	ssyncadd.s32 @!p1 $0xFFFFFF80  }
0xb1: {  	[spmem:s2] =	stream.indirect.scatter.add.f32 [tilespmem:s23], [sflag:$0x4], $0x80, s25, s30, $0xb8;
	[tilespmem:$0x18300] =	vst v63  }
0xb2: {  	_ =	swait.ge [sflag:s24], $0x2000  }
0xb3: {  	[sflag:s24] =	ssyncset.done $0x0  }
0xb4: {  	[sflag:s24] =	ssyncadd.s32 $0xFFFFE000  }
0xb5: {  	[tilespmem:s9], [sflag:$0x2] =	stream.linear.gather [hbm4b:s16+s3], $0x80, $0x38;
	[tilespmem:$0x18300] =	vst v63  }
0xb6: {  	p1 =	seq.s32 s13, $0x4E00;
	s16 =	sadd.s32 s6, s17;
	_ =	swait.ge [sflag:s29], $0x80  }
0xb7: {  	[sflag:s29] =	ssyncset.done $0x0  }
0xb8: {  	s17 =	sadd.s32 @!p1 $0x200, s13;
	s13 =	sadd.s32 @!p1 $0x280, s13;
	[sflag:s29] =	ssyncadd.s32 $0xFFFFFF80  }
0xb9: {  	[tilespmem:s23], [sflag:$0x1] =	stream.indirect.gather [hbm4b:s4+s30], $0x80, s31, s30, $0xb8;
	[tilespmem:$0x18300] =	vst v63  }
0xba: {  	s20 =	sand.u32 @!p1 $0xFC00, s17;
	s21 =	sand.u32 @!p1 $0xFC00, s13;
	s13 =	sand.u32 @!p1 $0x280, s13  }
0xbb: {  	s17 =	sand.u32 @!p1 $0x200, s17;
	s20 =	sadd.s32 @!p1 s10, s20;
	s21 =	sadd.s32 @!p1 s10, s21  }
0xbc: {  	[tilespmem:s25], [sflag:$0x3] =	stream.linear.gather [hbm4b:s16+s3], $0x80, $0x38;
	[tilespmem:$0x18300] =	vst v63  }
0xbd: {  	s13 =	sor.u32 @!p1 s13, s21;
	s16 =	sor.u32 @!p1 s17, s20;
	_ =	swait.ge [sflag:s8], $0x2000  }
0xbe: {  	s13 =	sshrl.u32 @!p1 s13, $0x3;
	s16 =	sshrl.u32 @!p1 s16, $0x3;
	[sflag:s8] =	ssyncset.done $0x0  }
0xbf: {  	s21 =	sadd.s32 @!p1 s5, s13;
	s20 =	sadd.s32 @!p1 s5, s16;
	[sflag:s8] =	ssyncadd.s32 $0xFFFFE000  }
0xc0: {  	s13 =	smov.u32 s15;
	s26 =	sadd.s32 @!p1 s6, s16;
	_ =	swait.ge [sflag:s11], $0x80  }
0xc1: {  	s17 =	simm.s32 @!p1 $0x14000;
	s16 =	simm.s32 @!p1 $0x0;
	[sflag:s11] =	ssyncset.done $0x0  }
0xc2: {  	[sflag:s11] =	ssyncadd.s32 $0xFFFFFF80  }
0xc3: {  	[spmem:s2] =	stream.indirect.scatter.add.f32 [tilespmem:s0], [sflag:$0x4], $0x80, s1, s30, $0xb8;
	[tilespmem:$0x18300] =	vst v63  }
0xc4: {  	_ =	swait.ge [sflag:s24], $0x2000  }
0xc5: {  	[sflag:s24] =	ssyncset.done $0x0  }
0xc6: {  	[sflag:s24] =	ssyncadd.s32 $0xFFFFE000  }
0xc7: {  	[tilespmem:s17], [sflag:$0x2] =	stream.linear.gather @!p1 [hbm4b:s20+s16], $0x80, $0x38;
	[tilespmem:$0x18300] =	vst v63  }
0xc8: {  	_ =	swait.ge [sflag:s29], $0x80  }
0xc9: {  	[sflag:s29] =	ssyncset.done $0x0  }
0xca: {  	[sflag:s29] =	ssyncadd.s32 $0xFFFFFF80  }
0xcb: {  	[tilespmem:s0], [sflag:$0x1] =	stream.indirect.gather [hbm4b:s4+s30], $0x80, s9, s30, $0xb8;
	[tilespmem:$0x18300] =	vst v63  }
0xcc: {  	s15 =	sadd.s32 s6, s19  }
0xcd: {  	[tilespmem:s1], [sflag:$0x3] =	stream.linear.gather [hbm4b:s15+s3], $0x80, $0x38;
	[tilespmem:$0x18300] =	vst v63  }
0xce: {  	_ =	swait.ge [sflag:s8], $0x2000  }
0xcf: {  	[sflag:s8] =	ssyncset.done $0x0  }
0xd0: {  	[sflag:s8] =	ssyncadd.s32 $0xFFFFE000  }
0xd1: {  	_ =	swait.ge [sflag:s11], $0x80  }
0xd2: {  	[sflag:s11] =	ssyncset.done $0x0  }
0xd3: {  	[sflag:s11] =	ssyncadd.s32 $0xFFFFFF80  }
0xd4: {  	[spmem:s2] =	stream.indirect.scatter.add.f32 [tilespmem:s23], [sflag:$0x4], $0x80, s25, s30, $0xb8;
	[tilespmem:$0x18300] =	vst v63  }
0xd5: {  	_ =	swait.ge [sflag:s24], $0x2000  }
.Ltmp1:
0xd6: {  	s19 =	simm.s32 @!p1 $0x14080;
	[sflag:s24] =	ssyncset.done $0x0;
	(pc) =	sbr.rel @p0 .LBB2_4-.Ltmp1, $4  }
0xd7: {  	s15 =	simm.s32 @!p1 $0x2;
	[sflag:s24] =	ssyncadd.s32 $0xFFFFE000  }
0xd8: {  	[tilespmem:s19], [sflag:$0x2] =	stream.linear.gather @!p1 [hbm4b:s21+s16], $0x80, $0x38;
	[tilespmem:$0x18300] =	vst v63  }
0xd9: {  	_ =	swait.ge @!p1 [sflag:s15], $0x80  }
0xda: {  	s20 =	simm.s32 @!p1 $0x14300;
	s19 =	simm.s32 @!p1 $0x40;
	[sflag:s15] =	ssyncset.done @!p1 $0x0  }
0xdb: {  	[sflag:s15] =	ssyncadd.s32 @!p1 $0xFFFFFF80  }
0xdc: {  	[tilespmem:s20], [sflag:$0x1] =	stream.indirect.gather @!p1 [hbm4b:s4+s19], $0x80, s17, s19, $0xb8;
	[tilespmem:$0x18300] =	vst v63  }
0xdd: {  	s14 =	simm.s32 @!p1 $0x14200  }
0xde: {  	[tilespmem:s14], [sflag:$0x3] =	stream.linear.gather @!p1 [hbm4b:s26+s16], $0x80, $0x38;
	[tilespmem:$0x18300] =	vst v63  }
0xdf: {  	_ =	swait.ge [sflag:s8], $0x2000  }
0xe0: {  	[sflag:s8] =	ssyncset.done $0x0  }
0xe1: {  	[sflag:s8] =	ssyncadd.s32 $0xFFFFE000  }
0xe2: {  	s19 =	sand.u32 $0x7C00, s13;
	_ =	swait.ge [sflag:s11], $0x80  }
0xe3: {  	s20 =	sand.u32 $0x200, s13;
	s14 =	sadd.s32 s10, s19;
	[sflag:s11] =	ssyncset.done $0x0  }
0xe4: {  	s14 =	sor.u32 s14, s20;
	[sflag:s11] =	ssyncadd.s32 $0xFFFFFF80  }
0xe5: {  	[spmem:s2] =	stream.indirect.scatter.add.f32 [tilespmem:s0], [sflag:$0x4], $0x80, s1, s30, $0xb8;
	[tilespmem:$0x18300] =	vst v63  }
0xe6: {  	s14 =	sshrl.u32 s14, $0x3;
	_ =	swait.ge [sflag:s24], $0x2000  }
0xe7: {  	s21 =	sor.u32 $0x20, s14;
	[sflag:s24] =	ssyncset.done $0x0  }
0xe8: {  	s26 =	sadd.s32 s5, s21;
	[sflag:s24] =	ssyncadd.s32 $0xFFFFE000  }
0xe9: {  	[tilespmem:s31], [sflag:$0x2] =	stream.linear.gather [hbm4b:s26+s3], $0x80, $0x38;
	[tilespmem:$0x18300] =	vst v63  }
0xea: {  	_ =	swait.ge [sflag:s29], $0x80  }
0xeb: {  	[sflag:s29] =	ssyncset.done $0x0  }
0xec: {  	s17 =	sadd.s32 s14, s6;
	[sflag:s29] =	ssyncadd.s32 $0xFFFFFF80  }
0xed: {  	[tilespmem:s0], [sflag:$0x1] =	stream.indirect.gather [hbm4b:s4+s30], $0x80, s28, s30, $0xb8;
	[tilespmem:$0x18300] =	vst v63  }
0xee: {  	s16 =	sadd.s32 $0x10, s17  }
0xef: {  	[tilespmem:s1], [sflag:$0x3] =	stream.linear.gather [hbm4b:s16+s3], $0x80, $0x38;
	[tilespmem:$0x18300] =	vst v63  }
0xf0: {  	_ =	swait.ge [sflag:s8], $0x2000  }
0xf1: {  	p0 =	seq.s32 s13, $0x0;
	[sflag:s8] =	ssyncset.done $0x0  }
0xf2: {  	s16 =	simm.s32 @!p0 $0x3;
	[sflag:s8] =	ssyncadd.s32 $0xFFFFE000  }
0xf3: {  	_ =	swait.ge @!p0 [sflag:s16], $0x80  }
0xf4: {  	[sflag:s16] =	ssyncset.done @!p0 $0x0  }
0xf5: {  	[sflag:s16] =	ssyncadd.s32 @!p0 $0xFFFFFF80  }
0xf6: {  	[spmem:s2] =	stream.indirect.scatter.add.f32 [tilespmem:s23], [sflag:$0x4], $0x80, s25, s30, $0xb8;
	[tilespmem:$0x18300] =	vst v63  }
0xf7: {  	_ =	swait.ge [sflag:s24], $0x2000  }
0xf8: {  	s14 =	sor.u32 $0x30, s14;
	[sflag:s24] =	ssyncset.done $0x0  }
0xf9: {  	s19 =	sadd.s32 s5, s14;
	[sflag:s24] =	ssyncadd.s32 $0xFFFFE000  }
0xfa: {  	[tilespmem:s9], [sflag:$0x2] =	stream.linear.gather [hbm4b:s19+s3], $0x80, $0x38;
	[tilespmem:$0x18300] =	vst v63  }
0xfb: {  	_ =	swait.ge [sflag:s29], $0x80  }
0xfc: {  	[sflag:s29] =	ssyncset.done $0x0  }
0xfd: {  	[sflag:s29] =	ssyncadd.s32 $0xFFFFFF80  }
0xfe: {  	[tilespmem:s23], [sflag:$0x1] =	stream.indirect.gather [hbm4b:s4+s30], $0x80, s31, s30, $0xb8;
	[tilespmem:$0x18300] =	vst v63  }
0xff: {  	s15 =	sadd.s32 s6, s21  }
0x100: {  	[tilespmem:s25], [sflag:$0x3] =	stream.linear.gather [hbm4b:s15+s3], $0x80, $0x38;
	[tilespmem:$0x18300] =	vst v63  }
0x101: {  	_ =	swait.ge [sflag:s8], $0x2000  }
0x102: {  	[sflag:s8] =	ssyncset.done $0x0  }
0x103: {  	p0 =	seq.s32 s13, $0x4E00;
	[sflag:s8] =	ssyncadd.s32 $0xFFFFE000  }
0x104: {  	s15 =	sadd.s32 @!p0 $0x200, s13;
	_ =	swait.ge [sflag:s11], $0x80  }
0x105: {  	s16 =	sand.u32 @!p0 $0xFC00, s15;
	[sflag:s11] =	ssyncset.done $0x0  }
0x106: {  	s15 =	sand.u32 @!p0 $0x200, s15;
	s16 =	sadd.s32 @!p0 s10, s16;
	[sflag:s11] =	ssyncadd.s32 $0xFFFFFF80  }
0x107: {  	[spmem:s2] =	stream.indirect.scatter.add.f32 [tilespmem:s0], [sflag:$0x4], $0x80, s1, s30, $0xb8;
	[tilespmem:$0x18300] =	vst v63  }
0x108: {  	s15 =	sor.u32 @!p0 s15, s16;
	_ =	swait.ge [sflag:s24], $0x2000  }
0x109: {  	s17 =	simm.s32 @!p0 $0x0;
	s15 =	sshrl.u32 @!p0 s15, $0x3;
	[sflag:s24] =	ssyncset.done $0x0  }
0x10a: {  	s19 =	simm.s32 @!p0 $0x14000;
	s16 =	sadd.s32 @!p0 s5, s15;
	[sflag:s24] =	ssyncadd.s32 $0xFFFFE000  }
0x10b: {  	[tilespmem:s19], [sflag:$0x2] =	stream.linear.gather @!p0 [hbm4b:s16+s17], $0x80, $0x38;
	[tilespmem:$0x18300] =	vst v63  }
0x10c: {  	_ =	swait.ge [sflag:s29], $0x80  }
0x10d: {  	[sflag:s29] =	ssyncset.done $0x0  }
0x10e: {  	[sflag:s29] =	ssyncadd.s32 $0xFFFFFF80  }
0x10f: {  	[tilespmem:s0], [sflag:$0x1] =	stream.indirect.gather [hbm4b:s4+s30], $0x80, s9, s30, $0xb8;
	[tilespmem:$0x18300] =	vst v63  }
0x110: {  	s14 =	sadd.s32 s6, s14  }
0x111: {  	[tilespmem:s1], [sflag:$0x3] =	stream.linear.gather [hbm4b:s14+s3], $0x80, $0x38;
	[tilespmem:$0x18300] =	vst v63  }
0x112: {  	_ =	swait.ge [sflag:s8], $0x2000  }
0x113: {  	[sflag:s8] =	ssyncset.done $0x0  }
0x114: {  	[sflag:s8] =	ssyncadd.s32 $0xFFFFE000  }
0x115: {  	s13 =	sadd.s32 @!p0 $0x280, s13;
	_ =	swait.ge [sflag:s11], $0x80  }
0x116: {  	s14 =	sand.u32 @!p0 $0xFC00, s13;
	[sflag:s11] =	ssyncset.done $0x0  }
0x117: {  	s13 =	sand.u32 @!p0 $0x280, s13;
	s14 =	sadd.s32 @!p0 s10, s14;
	[sflag:s11] =	ssyncadd.s32 $0xFFFFFF80  }
0x118: {  	[spmem:s2] =	stream.indirect.scatter.add.f32 [tilespmem:s23], [sflag:$0x4], $0x80, s25, s30, $0xb8;
	[tilespmem:$0x18300] =	vst v63  }
0x119: {  	s13 =	sor.u32 @!p0 s13, s14;
	_ =	swait.ge [sflag:s24], $0x2000  }
0x11a: {  	s13 =	sshrl.u32 @!p0 s13, $0x3;
	[sflag:s24] =	ssyncset.done $0x0  }
0x11b: {  	s14 =	simm.s32 @!p0 $0x14080;
	s13 =	sadd.s32 @!p0 s5, s13;
	[sflag:s24] =	ssyncadd.s32 $0xFFFFE000  }
0x11c: {  	[tilespmem:s14], [sflag:$0x2] =	stream.linear.gather @!p0 [hbm4b:s13+s17], $0x80, $0x38;
	[tilespmem:$0x18300] =	vst v63  }
0x11d: {  	s13 =	simm.s32 @!p0 $0x2  }
0x11e: {  	_ =	swait.ge @!p0 [sflag:s13], $0x80  }
0x11f: {  	[sflag:s13] =	ssyncset.done @!p0 $0x0  }
0x120: {  	s14 =	simm.s32 @!p0 $0x40;
	[sflag:s13] =	ssyncadd.s32 @!p0 $0xFFFFFF80;
	s13 =	simm.s32 @!p0 $0x14300  }
0x121: {  	[tilespmem:s13], [sflag:$0x1] =	stream.indirect.gather @!p0 [hbm4b:s4+s14], $0x80, s19, s14, $0xb8;
	[tilespmem:$0x18300] =	vst v63  }
0x122: {  	s13 =	sadd.s32 @!p0 s6, s15;
	s14 =	simm.s32 @!p0 $0x14200  }
0x123: {  	[tilespmem:s14], [sflag:$0x3] =	stream.linear.gather @!p0 [hbm4b:s13+s17], $0x80, $0x38;
	[tilespmem:$0x18300] =	vst v63  }
0x124: {  	_ =	swait.ge [sflag:s8], $0x2000  }
0x125: {  	[sflag:s8] =	ssyncset.done $0x0  }
0x126: {  	[sflag:s8] =	ssyncadd.s32 $0xFFFFE000  }
0x127: {  	_ =	swait.ge [sflag:s11], $0x80  }
0x128: {  	[sflag:s11] =	ssyncset.done $0x0  }
0x129: {  	[sflag:s11] =	ssyncadd.s32 $0xFFFFFF80  }
0x12a: {  	[spmem:s2] =	stream.indirect.scatter.add.f32 [tilespmem:s0], [sflag:$0x4], $0x80, s1, s30, $0xb8;
	[tilespmem:$0x18300] =	vst v63  }
0x12b: {  	_ =	swait.ge [sflag:s24], $0x2000  }
0x12c: {  	s12 =	sadd.s32 $0x1, s12;
	[sflag:s24] =	ssyncset.done $0x0  }
0x12d: {  	s20 =	stileid.u32;
	s21 =	sshrl.u32 s7, $0x3;
	[sflag:s24] =	ssyncadd.s32 $0xFFFFE000  }
0x12e: {  	s13 =	sshll.u32 s20, $0x6;
	p0 =	sne.s32 s12, s22;
	[bflag:$0x0] =	sbarrier.arrive $0xFFFF  }
.Ltmp2:
0x12f: {  	s13 =	sor.u32 $0x1C04, s13;
	s26 =	rddreg [dreg:$0xe];
	(pc) =	sbr.rel @p0 .LBB2_1-.Ltmp2, $4  }
0x130: {  	[hbm:s26], [sflag:s13] =	dma.local [spmem:s21], $0x2800  }
0x131: {  	_ =	swait.ge [sflag:s24], $0x2800  }
0x132: {  	[sflag:s24] =	ssyncset.done $0x0  }
0x133: {  	[sflag:s24] =	ssyncadd.s32 $0xFFFFD800  }
0x134: {  	_ =	sfence.sel $0x180000  }
0x135: {  	[bflag:$0x0] =	sbarrier.arrive $0xFFFF  }
0x136: {  	_ =	strace $0x9000004A  }
0x137: {  	s0 =	stileid.u32;
	[bflag:$0x2] =	sbarrier.arrive $0xFFFF  }
0x138: {  	p0 =	sne.s32 s0, $0x0;
	s0 =	rddreg [dreg:$0x2]  }
0x139: {  	s0 =	sadd.s32 @!p0 $0x100000, s0  }
0x13a: {  	[sflag:s0] =	ssyncadd.tile.s32 @!p0 $0x1;
	_ =	shalt  }
.Lfunc_end2:
_tile_overlayer_lowered:
.L_overlay_start_2:
0x13b: {  	(tag) =	ssettag $0x2  }
0x13c: {  	s0 =	rddreg [dreg:$0x0];
	s2 =	stileid.u32  }
0x13d: {  	s1 =	rddreg [dreg:$0x1];
	p0 =	sne.s32 s2, $0x0  }
0x13e: {  	s3 =	rddreg [dreg:$0x2];
	[bflag:$0x3] =	sbarrier.arrive $0xFFFF;
	s2 =	simm.s32 @!p0 $0x1C04  }
0x13f: {  	[timem:s3], [sflag:s2] =	dma.local @!p0 [hbm:s0], s1  }
0x140: {  	s0 =	simm.s32 @!p0 $0x4  }
0x141: {  	_ =	swait.ge @!p0 [sflag:s0], s1  }
0x142: {  	s1 =	ssub.s32 @!p0 $0x0, s1;
	[sflag:s0] =	ssyncset.done @!p0 $0x0  }
0x143: {  	[sflag:s0] =	ssyncadd.s32 @!p0 s1  }
0x144: {  	[bflag:$0x3] =	sbarrier.arrive $0xFFFF  }
0x145: {  	_ =	shalt  }

</sc_bundles>
